<compile_context>
chip_gen: v7x
topology: tpu7x:2x2x1
jax: 0.10.2.dev20260603
libtpu: 0.0.44.dev20260713+nightly
codegen_flags: <defaults>
</compile_context>

<pallas_src>
import functools

import jax
import jax.numpy as jnp
from jax import lax
from jax.experimental import pallas as pl
from jax.experimental.pallas import tpu as pltpu
from jax.experimental.pallas import tpu_sc as plsc

H = 1024
W = 1024
M = H * W
N = 1048576
NC, NS = 2, 16
NW = NC * NS
T = N // NW
P = 4096
PIECES = T // P
SC_CHUNK = M // NS
GB = 4


def _sc_body(obr_hbm, obc_hbm, hist_hbm, cnt_hbm, a_hbm, b_hbm,
             obr, obc, idxb, cnt, ones, shared, sob, sga, ssc, sout):
    c = lax.axis_index("c")
    s = lax.axis_index("s")
    wid = s * NC + c

    def _fill(i, carry):
        ones[pl.ds(i * 16, 16)] = jnp.full((16,), 1.0, jnp.float32)
        cnt[0][pl.ds(i * 16, 16)] = jnp.zeros((16,), jnp.float32)
        return carry
    lax.fori_loop(0, P // 16, _fill, 0)

    @pl.when(c == 0)
    def _():
        d = pltpu.async_copy(hist_hbm.at[pl.ds(s * SC_CHUNK, SC_CHUNK)],
                             shared.at[pl.ds(s * SC_CHUNK, SC_CHUNK)], sout)
        d.wait()

    @pl.when(c == 1)
    def _():
        zdma = [pltpu.async_copy(cnt[0],
                                 shared.at[pl.ds(s * SC_CHUNK + k * P, P)],
                                 sout)
                for k in range(SC_CHUNK // P)]
        for d in zdma:
            d.wait()
    plsc.subcore_barrier()

    def _start_obs(p, b):
        off = wid * T + p * P
        return (pltpu.async_copy(obr_hbm.at[pl.ds(off, P)], obr[b], sob),
                pltpu.async_copy(obc_hbm.at[pl.ds(off, P)], obc[b], sob))

    def _idx_loop(ob, j):
        def _mkidx(i, carry):
            r = obr[ob][pl.ds(i * 16, 16)]
            q = obc[ob][pl.ds(i * 16, 16)]
            ri = jnp.minimum(jnp.maximum(r.astype(jnp.int32), 0), H - 1)
            ci = jnp.minimum(jnp.maximum(q.astype(jnp.int32), 0), W - 1)
            idxb[j][pl.ds(i * 16, 16)] = ri * W + ci
            return carry
        lax.fori_loop(0, P // 16, _mkidx, 0)

    def _gather(p):
        j = p % 3
        b = p % 2
        g = pltpu.async_copy(hist_hbm.at[idxb[j]], cnt[b], sga)
        sc = pltpu.async_copy(ones, shared.at[idxb[j]], ssc, add=True)
        return g, sc

    obs_dma = [_start_obs(0, 0), _start_obs(1, 1)]
    gat = [None, None]
    sc_dma = [None, None, None]
    out_dma = [None, None]
    for d in obs_dma[0]:
        d.wait()
    _idx_loop(0, 0)
    if 2 < PIECES:
        obs_dma[0] = _start_obs(2, 0)
    gat[0], sc_dma[0] = _gather(0)
    for p in range(PIECES):
        if p + 1 < PIECES:
            j1 = (p + 1) % 3
            b1 = (p + 1) % 2
            if sc_dma[j1] is not None:
                sc_dma[j1].wait()
            for d in obs_dma[b1]:
                d.wait()
            _idx_loop(b1, j1)
            if p + 3 < PIECES:
                obs_dma[b1] = _start_obs(p + 3, b1)
            if out_dma[b1] is not None:
                out_dma[b1].wait()
            gat[b1], sc_dma[j1] = _gather(p + 1)
        b = p % 2
        gat[b].wait()
        out_dma[b] = pltpu.async_copy(
            cnt[b], cnt_hbm.at[pl.ds(wid * T + p * P, P)], sout)
    for d in out_dma:
        if d is not None:
            d.wait()
    for d in sc_dma:
        if d is not None:
            d.wait()
    plsc.subcore_barrier()

    @pl.when(c == 0)
    def _():
        pltpu.sync_copy(shared.at[pl.ds(s * SC_CHUNK, SC_CHUNK)],
                        a_hbm.at[pl.ds(s * SC_CHUNK, SC_CHUNK)])

    @pl.when(c == 1)
    def _():
        pltpu.sync_copy(shared.at[pl.ds(s * SC_CHUNK, SC_CHUNK)],
                        b_hbm.at[pl.ds(s * SC_CHUNK, SC_CHUNK)])


_sc_call = functools.partial(
    pl.kernel,
    out_type=(
        jax.ShapeDtypeStruct((N,), jnp.float32),
        jax.ShapeDtypeStruct((M,), jnp.float32),
        jax.ShapeDtypeStruct((M,), jnp.float32),
    ),
    mesh=plsc.VectorSubcoreMesh(core_axis_name="c", subcore_axis_name="s"),
    scratch_types=[
        [pltpu.VMEM((P,), jnp.float32)] * 2,
        [pltpu.VMEM((P,), jnp.float32)] * 2,
        [pltpu.VMEM((P,), jnp.int32)] * 3,
        [pltpu.VMEM((P,), jnp.float32)] * 2,
        pltpu.VMEM((P,), jnp.float32),
        pltpu.VMEM_SHARED((M,), jnp.float32),
        pltpu.SemaphoreType.DMA,
        pltpu.SemaphoreType.DMA,
        pltpu.SemaphoreType.DMA,
        pltpu.SemaphoreType.DMA,
    ],
)(_sc_body)


def _combine_body(n_ref, a_ref, b_ref, cnt_ref, oh_ref, ob_ref):
    s2 = 2.0 * jnp.log(jnp.float32(n_ref[0]) + jnp.float32(N))
    oh_ref[...] = (a_ref[...] + b_ref[...]).reshape(H // GB, W)
    ob_ref[...] = jnp.sqrt(s2 / (cnt_ref[...] + 1.0))


_combine = pl.pallas_call(
    _combine_body,
    grid=(GB,),
    in_specs=[
        pl.BlockSpec(memory_space=pltpu.MemorySpace.SMEM),
        pl.BlockSpec((M // GB,), lambda i: (i,)),
        pl.BlockSpec((M // GB,), lambda i: (i,)),
        pl.BlockSpec((N // GB,), lambda i: (i,)),
    ],
    out_specs=[
        pl.BlockSpec((H // GB, W), lambda i: (i, 0)),
        pl.BlockSpec((N // GB,), lambda i: (i,)),
    ],
    out_shape=(
        jax.ShapeDtypeStruct((H, W), jnp.float32),
        jax.ShapeDtypeStruct((N,), jnp.float32),
    ),
)


def kernel(ob_no, histogram, n):
    n_arr = jnp.reshape(jnp.asarray(n, jnp.int32), (1,))
    cnt, part_a, part_b = _sc_call(
        ob_no[:, 0], ob_no[:, 1], histogram.reshape(-1))
    new_hist, bonus = _combine(n_arr, part_a, part_b, cnt)
    return bonus, new_hist

# --- scband reference (transcript-rebuilt; emitter-appended) ---
"""Pipeline reference for scband-pseudo-count-model-52097953300839 (READ-ONLY COPY).

The authoritative reference and input builder live on the scoring server;
editing this copy changes nothing except your own understanding.
"""

import jax, jax.numpy as jnp
import numpy as np

HIST_H = 1024
HIST_W = 1024
N_OBS = 1048576


def setup_inputs(seed: int = 0) -> dict:
    key = jax.random.key(seed)
    k1, _ = jax.random.split(key)
    # observations uniformly distributed over the discretized grid [0, 1024)^2
    ob_no = jax.random.uniform(k1, (N_OBS, 2), dtype=jnp.float32, minval=0.0, maxval=float(HIST_H))
    # pseudo-count histogram state (np.zeros(env.observation_space.high) in the original)
    histogram = jnp.zeros((HIST_H, HIST_W), dtype=jnp.float32)
    n = 0  # running count of observations seen so far
    return {"ob_no": ob_no, "histogram": histogram, "n": n}


def reference(ob_no, histogram, n):
    # discretize observations: np.floor(ob_no).astype(int)
    disc = jnp.floor(ob_no).astype(jnp.int32)
    r = jnp.clip(disc[:, 0], 0, HIST_H - 1)
    c = jnp.clip(disc[:, 1], 0, HIST_W - 1)
    # lookup_histogram: gather counts BEFORE the update, then +1
    obs_count = histogram[r, c] + 1.0
    # self.n += len(obs_count) happens before the bonus is computed
    new_n = n + ob_no.shape[0]
    # update(): scatter-add 1 into each visited bin (duplicates accumulate)
    new_histogram = histogram.at[r, c].add(1.0)
    # ucb_bonus = sqrt(2 * log(n) / obs_count)  (np.tile just broadcasts the scalar n)
    ucb_bonus = jnp.sqrt(2.0 * jnp.log(jnp.float32(new_n)) / obs_count)
    return ucb_bonus, new_histogram

if __name__ == "__main__":
    import jax
    _d = setup_inputs()
    print(jax.jit(kernel)(*tuple(_d.values())))

</pallas_src>

<mosaic_0001>
#map = affine_map<(d0, d1) -> (0)>
module attributes {stable_mosaic.version = 14 : i64} {
  func.func @_sc_body(%arg0: i32, %arg1: i32, %arg2: memref<1048576xf32, #tpu.memory_space<hbm>>, %arg3: memref<1048576xf32, #tpu.memory_space<hbm>>, %arg4: memref<1048576xf32, #tpu.memory_space<hbm>>, %arg5: memref<1048576xf32, #tpu.memory_space<hbm>>, %arg6: memref<1048576xf32, #tpu.memory_space<hbm>>, %arg7: memref<1048576xf32, #tpu.memory_space<hbm>>, %arg8: memref<4096xf32, #tpu.memory_space<vmem>>, %arg9: memref<4096xf32, #tpu.memory_space<vmem>>, %arg10: memref<4096xf32, #tpu.memory_space<vmem>>, %arg11: memref<4096xf32, #tpu.memory_space<vmem>>, %arg12: memref<4096xi32, #tpu.memory_space<vmem>>, %arg13: memref<4096xi32, #tpu.memory_space<vmem>>, %arg14: memref<4096xi32, #tpu.memory_space<vmem>>, %arg15: memref<4096xf32, #tpu.memory_space<vmem>>, %arg16: memref<4096xf32, #tpu.memory_space<vmem>>, %arg17: memref<4096xf32, #tpu.memory_space<vmem>>, %arg18: memref<1048576xf32, #tpu.memory_space<vmem_shared>>, %arg19: memref<!tpu.dma_semaphore, #tpu.memory_space<semaphore_mem>>, %arg20: memref<!tpu.dma_semaphore, #tpu.memory_space<semaphore_mem>>, %arg21: memref<!tpu.dma_semaphore, #tpu.memory_space<semaphore_mem>>, %arg22: memref<!tpu.dma_semaphore, #tpu.memory_space<semaphore_mem>>) attributes {dimension_semantics = [#tpu.dimension_semantics<core_parallel>, #tpu.dimension_semantics<subcore_parallel>], iteration_bounds = array<i64: 2, 16>, scalar_prefetch = 0 : i64, scratch_operands = 15 : i64, tpu.core_type = #tpu.core_type<sc_vector_subcore>, window_params = [{transform_indices = #map}, {transform_indices = #map}, {transform_indices = #map}, {transform_indices = #map}, {transform_indices = #map}, {transform_indices = #map}]} {
    %mul3A = arith.constant 2 : i32
    %mul3A_0 = arith.muli %arg1, %mul3A : i32
    %add3A = arith.addi %mul3A_0, %arg0 : i32
    %scan3A = arith.constant 0 : i32
    %scan3A_1 = arith.constant 0 : i32
    %scan3A_2 = arith.constant 256 : i32
    %scan3A_3 = arith.addi %scan3A_1, %scan3A_2 : i32
    %scan3A_4 = arith.constant 1 : i32
    scf.for %scan3A_294 = %scan3A_1 to %scan3A_3 step %scan3A_4  : i32 {
      %broadcast_in_dim3A = arith.constant 1.000000e+00 : f32
      %broadcast_in_dim3A_295 = vector.broadcast %broadcast_in_dim3A : f32 to vector<16xf32>
      %mul3A_296 = arith.constant 16 : i32
      %mul3A_297 = arith.muli %scan3A_294, %mul3A_296 : i32
      %swap3A = arith.index_cast %mul3A_297 : i32 to index
      %swap3A_298 = tpu.vector_load %arg17[%swap3A] {strides = array<i32>} : memref<4096xf32, #tpu.memory_space<vmem>>, vector<16xf32>,
      %swap3A_299 = vector.shape_cast %swap3A_298 : vector<16xf32> to vector<16xf32>
      %swap3A_300 = vector.shape_cast %broadcast_in_dim3A_295 : vector<16xf32> to vector<16xf32>
      tpu.vector_store %arg17[%swap3A], %swap3A_300 {strides = array<i32>} : memref<4096xf32, #tpu.memory_space<vmem>>, vector<16xf32>,
      %broadcast_in_dim3A_301 = arith.constant 0.000000e+00 : f32
      %broadcast_in_dim3A_302 = vector.broadcast %broadcast_in_dim3A_301 : f32 to vector<16xf32>
      %mul3A_303 = arith.constant 16 : i32
      %mul3A_304 = arith.muli %scan3A_294, %mul3A_303 : i32
      %swap3A_305 = arith.index_cast %mul3A_304 : i32 to index
      %swap3A_306 = tpu.vector_load %arg15[%swap3A_305] {strides = array<i32>} : memref<4096xf32, #tpu.memory_space<vmem>>, vector<16xf32>,
      %swap3A_307 = vector.shape_cast %swap3A_306 : vector<16xf32> to vector<16xf32>
      %swap3A_308 = vector.shape_cast %broadcast_in_dim3A_302 : vector<16xf32> to vector<16xf32>
      tpu.vector_store %arg15[%swap3A_305], %swap3A_308 {strides = array<i32>} : memref<4096xf32, #tpu.memory_space<vmem>>, vector<16xf32>,
    }
    %scan3A_5 = arith.constant 256 : i32
    %eq3A = arith.constant 0 : i32
    %eq3A_6 = arith.cmpi eq, %arg0, %eq3A : i32
    %convert_element_type3A = arith.extui %eq3A_6 : i1 to i32
    %cond3A = arith.constant 0 : i32
    %cond3A_7 = arith.cmpi ne, %convert_element_type3A, %cond3A : i32
    scf.if %cond3A_7 {
      %mul3A_294 = arith.constant 65536 : i32
      %mul3A_295 = arith.muli %arg1, %mul3A_294 : i32
      %mul3A_296 = arith.constant 65536 : i32
      %mul3A_297 = arith.muli %arg1, %mul3A_296 : i32
      %dma_start3A_298 = tpu.memref_slice %arg18[%mul3A_297] : memref<1048576xf32, #tpu.memory_space<vmem_shared>> -> memref<65536xf32, #tpu.memory_space<vmem_shared>>
      %dma_start3A_299 = tpu.memref_slice %arg4[%mul3A_295] : memref<1048576xf32, #tpu.memory_space<hbm>> -> memref<65536xf32, #tpu.memory_space<hbm>>
      tpu.enqueue_dma source(%dma_start3A_299 : memref<65536xf32, #tpu.memory_space<hbm>>) target(%dma_start3A_298 : memref<65536xf32, #tpu.memory_space<vmem_shared>>) target_semaphore(%arg22 : memref<!tpu.dma_semaphore, #tpu.memory_space<semaphore_mem>>)
      %dma_wait3A_300 = tpu.memref_slice %arg18[%mul3A_297] : memref<1048576xf32, #tpu.memory_space<vmem_shared>> -> memref<65536xf32, #tpu.memory_space<vmem_shared>>
      %dma_wait3A_301 = tpu.memref_slice %arg4[%mul3A_295] : memref<1048576xf32, #tpu.memory_space<hbm>> -> memref<65536xf32, #tpu.memory_space<hbm>>
      tpu.wait_dma2 semaphore(%arg22 : memref<!tpu.dma_semaphore, #tpu.memory_space<semaphore_mem>>) src(%dma_wait3A_301 : memref<65536xf32, #tpu.memory_space<hbm>>) dst(%dma_wait3A_300 : memref<65536xf32, #tpu.memory_space<vmem_shared>>)
    } else {
    }
    %eq3A_8 = arith.constant 1 : i32
    %eq3A_9 = arith.cmpi eq, %arg0, %eq3A_8 : i32
    %convert_element_type3A_10 = arith.extui %eq3A_9 : i1 to i32
    %cond3A_11 = arith.constant 0 : i32
    %cond3A_12 = arith.cmpi ne, %convert_element_type3A_10, %cond3A_11 : i32
    scf.if %cond3A_12 {
      %mul3A_294 = arith.constant 65536 : i32
      %mul3A_295 = arith.muli %arg1, %mul3A_294 : i32
      %add3A_296 = arith.constant 0 : i32
      %add3A_297 = arith.addi %mul3A_295, %add3A_296 : i32
      %dma_start3A_298 = tpu.memref_slice %arg18[%add3A_297] : memref<1048576xf32, #tpu.memory_space<vmem_shared>> -> memref<4096xf32, #tpu.memory_space<vmem_shared>>
      %dma_start3A_299 = tpu.memref_slice %arg18[%add3A_297] : memref<1048576xf32, #tpu.memory_space<vmem_shared>> -> memref<4096xf32, #tpu.memory_space<vmem_shared>>
      tpu.enqueue_dma source(%arg15 : memref<4096xf32, #tpu.memory_space<vmem>>) target(%dma_start3A_299 : memref<4096xf32, #tpu.memory_space<vmem_shared>>) target_semaphore(%arg22 : memref<!tpu.dma_semaphore, #tpu.memory_space<semaphore_mem>>)
      %mul3A_300 = arith.constant 65536 : i32
      %mul3A_301 = arith.muli %arg1, %mul3A_300 : i32
      %add3A_302 = arith.constant 4096 : i32
      %add3A_303 = arith.addi %mul3A_301, %add3A_302 : i32
      %dma_start3A_304 = tpu.memref_slice %arg18[%add3A_303] : memref<1048576xf32, #tpu.memory_space<vmem_shared>> -> memref<4096xf32, #tpu.memory_space<vmem_shared>>
      %dma_start3A_305 = tpu.memref_slice %arg18[%add3A_303] : memref<1048576xf32, #tpu.memory_space<vmem_shared>> -> memref<4096xf32, #tpu.memory_space<vmem_shared>>
      tpu.enqueue_dma source(%arg15 : memref<4096xf32, #tpu.memory_space<vmem>>) target(%dma_start3A_305 : memref<4096xf32, #tpu.memory_space<vmem_shared>>) target_semaphore(%arg22 : memref<!tpu.dma_semaphore, #tpu.memory_space<semaphore_mem>>)
      %mul3A_306 = arith.constant 65536 : i32
      %mul3A_307 = arith.muli %arg1, %mul3A_306 : i32
      %add3A_308 = arith.constant 8192 : i32
      %add3A_309 = arith.addi %mul3A_307, %add3A_308 : i32
      %dma_start3A_310 = tpu.memref_slice %arg18[%add3A_309] : memref<1048576xf32, #tpu.memory_space<vmem_shared>> -> memref<4096xf32, #tpu.memory_space<vmem_shared>>
      %dma_start3A_311 = tpu.memref_slice %arg18[%add3A_309] : memref<1048576xf32, #tpu.memory_space<vmem_shared>> -> memref<4096xf32, #tpu.memory_space<vmem_shared>>
      tpu.enqueue_dma source(%arg15 : memref<4096xf32, #tpu.memory_space<vmem>>) target(%dma_start3A_311 : memref<4096xf32, #tpu.memory_space<vmem_shared>>) target_semaphore(%arg22 : memref<!tpu.dma_semaphore, #tpu.memory_space<semaphore_mem>>)
      %mul3A_312 = arith.constant 65536 : i32
      %mul3A_313 = arith.muli %arg1, %mul3A_312 : i32
      %add3A_314 = arith.constant 12288 : i32
      %add3A_315 = arith.addi %mul3A_313, %add3A_314 : i32
      %dma_start3A_316 = tpu.memref_slice %arg18[%add3A_315] : memref<1048576xf32, #tpu.memory_space<vmem_shared>> -> memref<4096xf32, #tpu.memory_space<vmem_shared>>
      %dma_start3A_317 = tpu.memref_slice %arg18[%add3A_315] : memref<1048576xf32, #tpu.memory_space<vmem_shared>> -> memref<4096xf32, #tpu.memory_space<vmem_shared>>
      tpu.enqueue_dma source(%arg15 : memref<4096xf32, #tpu.memory_space<vmem>>) target(%dma_start3A_317 : memref<4096xf32, #tpu.memory_space<vmem_shared>>) target_semaphore(%arg22 : memref<!tpu.dma_semaphore, #tpu.memory_space<semaphore_mem>>)
      %mul3A_318 = arith.constant 65536 : i32
      %mul3A_319 = arith.muli %arg1, %mul3A_318 : i32
      %add3A_320 = arith.constant 16384 : i32
      %add3A_321 = arith.addi %mul3A_319, %add3A_320 : i32
      %dma_start3A_322 = tpu.memref_slice %arg18[%add3A_321] : memref<1048576xf32, #tpu.memory_space<vmem_shared>> -> memref<4096xf32, #tpu.memory_space<vmem_shared>>
      %dma_start3A_323 = tpu.memref_slice %arg18[%add3A_321] : memref<1048576xf32, #tpu.memory_space<vmem_shared>> -> memref<4096xf32, #tpu.memory_space<vmem_shared>>
      tpu.enqueue_dma source(%arg15 : memref<4096xf32, #tpu.memory_space<vmem>>) target(%dma_start3A_323 : memref<4096xf32, #tpu.memory_space<vmem_shared>>) target_semaphore(%arg22 : memref<!tpu.dma_semaphore, #tpu.memory_space<semaphore_mem>>)
      %mul3A_324 = arith.constant 65536 : i32
      %mul3A_325 = arith.muli %arg1, %mul3A_324 : i32
      %add3A_326 = arith.constant 20480 : i32
      %add3A_327 = arith.addi %mul3A_325, %add3A_326 : i32
      %dma_start3A_328 = tpu.memref_slice %arg18[%add3A_327] : memref<1048576xf32, #tpu.memory_space<vmem_shared>> -> memref<4096xf32, #tpu.memory_space<vmem_shared>>
      %dma_start3A_329 = tpu.memref_slice %arg18[%add3A_327] : memref<1048576xf32, #tpu.memory_space<vmem_shared>> -> memref<4096xf32, #tpu.memory_space<vmem_shared>>
      tpu.enqueue_dma source(%arg15 : memref<4096xf32, #tpu.memory_space<vmem>>) target(%dma_start3A_329 : memref<4096xf32, #tpu.memory_space<vmem_shared>>) target_semaphore(%arg22 : memref<!tpu.dma_semaphore, #tpu.memory_space<semaphore_mem>>)
      %mul3A_330 = arith.constant 65536 : i32
      %mul3A_331 = arith.muli %arg1, %mul3A_330 : i32
      %add3A_332 = arith.constant 24576 : i32
      %add3A_333 = arith.addi %mul3A_331, %add3A_332 : i32
      %dma_start3A_334 = tpu.memref_slice %arg18[%add3A_333] : memref<1048576xf32, #tpu.memory_space<vmem_shared>> -> memref<4096xf32, #tpu.memory_space<vmem_shared>>
      %dma_start3A_335 = tpu.memref_slice %arg18[%add3A_333] : memref<1048576xf32, #tpu.memory_space<vmem_shared>> -> memref<4096xf32, #tpu.memory_space<vmem_shared>>
      tpu.enqueue_dma source(%arg15 : memref<4096xf32, #tpu.memory_space<vmem>>) target(%dma_start3A_335 : memref<4096xf32, #tpu.memory_space<vmem_shared>>) target_semaphore(%arg22 : memref<!tpu.dma_semaphore, #tpu.memory_space<semaphore_mem>>)
      %mul3A_336 = arith.constant 65536 : i32
      %mul3A_337 = arith.muli %arg1, %mul3A_336 : i32
      %add3A_338 = arith.constant 28672 : i32
      %add3A_339 = arith.addi %mul3A_337, %add3A_338 : i32
      %dma_start3A_340 = tpu.memref_slice %arg18[%add3A_339] : memref<1048576xf32, #tpu.memory_space<vmem_shared>> -> memref<4096xf32, #tpu.memory_space<vmem_shared>>
      %dma_start3A_341 = tpu.memref_slice %arg18[%add3A_339] : memref<1048576xf32, #tpu.memory_space<vmem_shared>> -> memref<4096xf32, #tpu.memory_space<vmem_shared>>
      tpu.enqueue_dma source(%arg15 : memref<4096xf32, #tpu.memory_space<vmem>>) target(%dma_start3A_341 : memref<4096xf32, #tpu.memory_space<vmem_shared>>) target_semaphore(%arg22 : memref<!tpu.dma_semaphore, #tpu.memory_space<semaphore_mem>>)
      %mul3A_342 = arith.constant 65536 : i32
      %mul3A_343 = arith.muli %arg1, %mul3A_342 : i32
      %add3A_344 = arith.constant 32768 : i32
      %add3A_345 = arith.addi %mul3A_343, %add3A_344 : i32
      %dma_start3A_346 = tpu.memref_slice %arg18[%add3A_345] : memref<1048576xf32, #tpu.memory_space<vmem_shared>> -> memref<4096xf32, #tpu.memory_space<vmem_shared>>
      %dma_start3A_347 = tpu.memref_slice %arg18[%add3A_345] : memref<1048576xf32, #tpu.memory_space<vmem_shared>> -> memref<4096xf32, #tpu.memory_space<vmem_shared>>
      tpu.enqueue_dma source(%arg15 : memref<4096xf32, #tpu.memory_space<vmem>>) target(%dma_start3A_347 : memref<4096xf32, #tpu.memory_space<vmem_shared>>) target_semaphore(%arg22 : memref<!tpu.dma_semaphore, #tpu.memory_space<semaphore_mem>>)
      %mul3A_348 = arith.constant 65536 : i32
      %mul3A_349 = arith.muli %arg1, %mul3A_348 : i32
      %add3A_350 = arith.constant 36864 : i32
      %add3A_351 = arith.addi %mul3A_349, %add3A_350 : i32
      %dma_start3A_352 = tpu.memref_slice %arg18[%add3A_351] : memref<1048576xf32, #tpu.memory_space<vmem_shared>> -> memref<4096xf32, #tpu.memory_space<vmem_shared>>
      %dma_start3A_353 = tpu.memref_slice %arg18[%add3A_351] : memref<1048576xf32, #tpu.memory_space<vmem_shared>> -> memref<4096xf32, #tpu.memory_space<vmem_shared>>
      tpu.enqueue_dma source(%arg15 : memref<4096xf32, #tpu.memory_space<vmem>>) target(%dma_start3A_353 : memref<4096xf32, #tpu.memory_space<vmem_shared>>) target_semaphore(%arg22 : memref<!tpu.dma_semaphore, #tpu.memory_space<semaphore_mem>>)
      %mul3A_354 = arith.constant 65536 : i32
      %mul3A_355 = arith.muli %arg1, %mul3A_354 : i32
      %add3A_356 = arith.constant 40960 : i32
      %add3A_357 = arith.addi %mul3A_355, %add3A_356 : i32
      %dma_start3A_358 = tpu.memref_slice %arg18[%add3A_357] : memref<1048576xf32, #tpu.memory_space<vmem_shared>> -> memref<4096xf32, #tpu.memory_space<vmem_shared>>
      %dma_start3A_359 = tpu.memref_slice %arg18[%add3A_357] : memref<1048576xf32, #tpu.memory_space<vmem_shared>> -> memref<4096xf32, #tpu.memory_space<vmem_shared>>
      tpu.enqueue_dma source(%arg15 : memref<4096xf32, #tpu.memory_space<vmem>>) target(%dma_start3A_359 : memref<4096xf32, #tpu.memory_space<vmem_shared>>) target_semaphore(%arg22 : memref<!tpu.dma_semaphore, #tpu.memory_space<semaphore_mem>>)
      %mul3A_360 = arith.constant 65536 : i32
      %mul3A_361 = arith.muli %arg1, %mul3A_360 : i32
      %add3A_362 = arith.constant 45056 : i32
      %add3A_363 = arith.addi %mul3A_361, %add3A_362 : i32
      %dma_start3A_364 = tpu.memref_slice %arg18[%add3A_363] : memref<1048576xf32, #tpu.memory_space<vmem_shared>> -> memref<4096xf32, #tpu.memory_space<vmem_shared>>
      %dma_start3A_365 = tpu.memref_slice %arg18[%add3A_363] : memref<1048576xf32, #tpu.memory_space<vmem_shared>> -> memref<4096xf32, #tpu.memory_space<vmem_shared>>
      tpu.enqueue_dma source(%arg15 : memref<4096xf32, #tpu.memory_space<vmem>>) target(%dma_start3A_365 : memref<4096xf32, #tpu.memory_space<vmem_shared>>) target_semaphore(%arg22 : memref<!tpu.dma_semaphore, #tpu.memory_space<semaphore_mem>>)
      %mul3A_366 = arith.constant 65536 : i32
      %mul3A_367 = arith.muli %arg1, %mul3A_366 : i32
      %add3A_368 = arith.constant 49152 : i32
      %add3A_369 = arith.addi %mul3A_367, %add3A_368 : i32
      %dma_start3A_370 = tpu.memref_slice %arg18[%add3A_369] : memref<1048576xf32, #tpu.memory_space<vmem_shared>> -> memref<4096xf32, #tpu.memory_space<vmem_shared>>
      %dma_start3A_371 = tpu.memref_slice %arg18[%add3A_369] : memref<1048576xf32, #tpu.memory_space<vmem_shared>> -> memref<4096xf32, #tpu.memory_space<vmem_shared>>
      tpu.enqueue_dma source(%arg15 : memref<4096xf32, #tpu.memory_space<vmem>>) target(%dma_start3A_371 : memref<4096xf32, #tpu.memory_space<vmem_shared>>) target_semaphore(%arg22 : memref<!tpu.dma_semaphore, #tpu.memory_space<semaphore_mem>>)
      %mul3A_372 = arith.constant 65536 : i32
      %mul3A_373 = arith.muli %arg1, %mul3A_372 : i32
      %add3A_374 = arith.constant 53248 : i32
      %add3A_375 = arith.addi %mul3A_373, %add3A_374 : i32
      %dma_start3A_376 = tpu.memref_slice %arg18[%add3A_375] : memref<1048576xf32, #tpu.memory_space<vmem_shared>> -> memref<4096xf32, #tpu.memory_space<vmem_shared>>
      %dma_start3A_377 = tpu.memref_slice %arg18[%add3A_375] : memref<1048576xf32, #tpu.memory_space<vmem_shared>> -> memref<4096xf32, #tpu.memory_space<vmem_shared>>
      tpu.enqueue_dma source(%arg15 : memref<4096xf32, #tpu.memory_space<vmem>>) target(%dma_start3A_377 : memref<4096xf32, #tpu.memory_space<vmem_shared>>) target_semaphore(%arg22 : memref<!tpu.dma_semaphore, #tpu.memory_space<semaphore_mem>>)
      %mul3A_378 = arith.constant 65536 : i32
      %mul3A_379 = arith.muli %arg1, %mul3A_378 : i32
      %add3A_380 = arith.constant 57344 : i32
      %add3A_381 = arith.addi %mul3A_379, %add3A_380 : i32
      %dma_start3A_382 = tpu.memref_slice %arg18[%add3A_381] : memref<1048576xf32, #tpu.memory_space<vmem_shared>> -> memref<4096xf32, #tpu.memory_space<vmem_shared>>
      %dma_start3A_383 = tpu.memref_slice %arg18[%add3A_381] : memref<1048576xf32, #tpu.memory_space<vmem_shared>> -> memref<4096xf32, #tpu.memory_space<vmem_shared>>
      tpu.enqueue_dma source(%arg15 : memref<4096xf32, #tpu.memory_space<vmem>>) target(%dma_start3A_383 : memref<4096xf32, #tpu.memory_space<vmem_shared>>) target_semaphore(%arg22 : memref<!tpu.dma_semaphore, #tpu.memory_space<semaphore_mem>>)
      %mul3A_384 = arith.constant 65536 : i32
      %mul3A_385 = arith.muli %arg1, %mul3A_384 : i32
      %add3A_386 = arith.constant 61440 : i32
      %add3A_387 = arith.addi %mul3A_385, %add3A_386 : i32
      %dma_start3A_388 = tpu.memref_slice %arg18[%add3A_387] : memref<1048576xf32, #tpu.memory_space<vmem_shared>> -> memref<4096xf32, #tpu.memory_space<vmem_shared>>
      %dma_start3A_389 = tpu.memref_slice %arg18[%add3A_387] : memref<1048576xf32, #tpu.memory_space<vmem_shared>> -> memref<4096xf32, #tpu.memory_space<vmem_shared>>
      tpu.enqueue_dma source(%arg15 : memref<4096xf32, #tpu.memory_space<vmem>>) target(%dma_start3A_389 : memref<4096xf32, #tpu.memory_space<vmem_shared>>) target_semaphore(%arg22 : memref<!tpu.dma_semaphore, #tpu.memory_space<semaphore_mem>>)
      %dma_wait3A_390 = tpu.memref_slice %arg18[%add3A_297] : memref<1048576xf32, #tpu.memory_space<vmem_shared>> -> memref<4096xf32, #tpu.memory_space<vmem_shared>>
      %dma_wait3A_391 = tpu.memref_slice %arg18[%add3A_297] : memref<1048576xf32, #tpu.memory_space<vmem_shared>> -> memref<4096xf32, #tpu.memory_space<vmem_shared>>
      tpu.wait_dma2 semaphore(%arg22 : memref<!tpu.dma_semaphore, #tpu.memory_space<semaphore_mem>>) src(%arg15 : memref<4096xf32, #tpu.memory_space<vmem>>) dst(%dma_wait3A_391 : memref<4096xf32, #tpu.memory_space<vmem_shared>>)
      %dma_wait3A_392 = tpu.memref_slice %arg18[%add3A_303] : memref<1048576xf32, #tpu.memory_space<vmem_shared>> -> memref<4096xf32, #tpu.memory_space<vmem_shared>>
      %dma_wait3A_393 = tpu.memref_slice %arg18[%add3A_303] : memref<1048576xf32, #tpu.memory_space<vmem_shared>> -> memref<4096xf32, #tpu.memory_space<vmem_shared>>
      tpu.wait_dma2 semaphore(%arg22 : memref<!tpu.dma_semaphore, #tpu.memory_space<semaphore_mem>>) src(%arg15 : memref<4096xf32, #tpu.memory_space<vmem>>) dst(%dma_wait3A_393 : memref<4096xf32, #tpu.memory_space<vmem_shared>>)
      %dma_wait3A_394 = tpu.memref_slice %arg18[%add3A_309] : memref<1048576xf32, #tpu.memory_space<vmem_shared>> -> memref<4096xf32, #tpu.memory_space<vmem_shared>>
      %dma_wait3A_395 = tpu.memref_slice %arg18[%add3A_309] : memref<1048576xf32, #tpu.memory_space<vmem_shared>> -> memref<4096xf32, #tpu.memory_space<vmem_shared>>
      tpu.wait_dma2 semaphore(%arg22 : memref<!tpu.dma_semaphore, #tpu.memory_space<semaphore_mem>>) src(%arg15 : memref<4096xf32, #tpu.memory_space<vmem>>) dst(%dma_wait3A_395 : memref<4096xf32, #tpu.memory_space<vmem_shared>>)
      %dma_wait3A_396 = tpu.memref_slice %arg18[%add3A_315] : memref<1048576xf32, #tpu.memory_space<vmem_shared>> -> memref<4096xf32, #tpu.memory_space<vmem_shared>>
      %dma_wait3A_397 = tpu.memref_slice %arg18[%add3A_315] : memref<1048576xf32, #tpu.memory_space<vmem_shared>> -> memref<4096xf32, #tpu.memory_space<vmem_shared>>
      tpu.wait_dma2 semaphore(%arg22 : memref<!tpu.dma_semaphore, #tpu.memory_space<semaphore_mem>>) src(%arg15 : memref<4096xf32, #tpu.memory_space<vmem>>) dst(%dma_wait3A_397 : memref<4096xf32, #tpu.memory_space<vmem_shared>>)
      %dma_wait3A_398 = tpu.memref_slice %arg18[%add3A_321] : memref<1048576xf32, #tpu.memory_space<vmem_shared>> -> memref<4096xf32, #tpu.memory_space<vmem_shared>>
      %dma_wait3A_399 = tpu.memref_slice %arg18[%add3A_321] : memref<1048576xf32, #tpu.memory_space<vmem_shared>> -> memref<4096xf32, #tpu.memory_space<vmem_shared>>
      tpu.wait_dma2 semaphore(%arg22 : memref<!tpu.dma_semaphore, #tpu.memory_space<semaphore_mem>>) src(%arg15 : memref<4096xf32, #tpu.memory_space<vmem>>) dst(%dma_wait3A_399 : memref<4096xf32, #tpu.memory_space<vmem_shared>>)
      %dma_wait3A_400 = tpu.memref_slice %arg18[%add3A_327] : memref<1048576xf32, #tpu.memory_space<vmem_shared>> -> memref<4096xf32, #tpu.memory_space<vmem_shared>>
      %dma_wait3A_401 = tpu.memref_slice %arg18[%add3A_327] : memref<1048576xf32, #tpu.memory_space<vmem_shared>> -> memref<4096xf32, #tpu.memory_space<vmem_shared>>
      tpu.wait_dma2 semaphore(%arg22 : memref<!tpu.dma_semaphore, #tpu.memory_space<semaphore_mem>>) src(%arg15 : memref<4096xf32, #tpu.memory_space<vmem>>) dst(%dma_wait3A_401 : memref<4096xf32, #tpu.memory_space<vmem_shared>>)
      %dma_wait3A_402 = tpu.memref_slice %arg18[%add3A_333] : memref<1048576xf32, #tpu.memory_space<vmem_shared>> -> memref<4096xf32, #tpu.memory_space<vmem_shared>>
      %dma_wait3A_403 = tpu.memref_slice %arg18[%add3A_333] : memref<1048576xf32, #tpu.memory_space<vmem_shared>> -> memref<4096xf32, #tpu.memory_space<vmem_shared>>
      tpu.wait_dma2 semaphore(%arg22 : memref<!tpu.dma_semaphore, #tpu.memory_space<semaphore_mem>>) src(%arg15 : memref<4096xf32, #tpu.memory_space<vmem>>) dst(%dma_wait3A_403 : memref<4096xf32, #tpu.memory_space<vmem_shared>>)
      %dma_wait3A_404 = tpu.memref_slice %arg18[%add3A_339] : memref<1048576xf32, #tpu.memory_space<vmem_shared>> -> memref<4096xf32, #tpu.memory_space<vmem_shared>>
      %dma_wait3A_405 = tpu.memref_slice %arg18[%add3A_339] : memref<1048576xf32, #tpu.memory_space<vmem_shared>> -> memref<4096xf32, #tpu.memory_space<vmem_shared>>
      tpu.wait_dma2 semaphore(%arg22 : memref<!tpu.dma_semaphore, #tpu.memory_space<semaphore_mem>>) src(%arg15 : memref<4096xf32, #tpu.memory_space<vmem>>) dst(%dma_wait3A_405 : memref<4096xf32, #tpu.memory_space<vmem_shared>>)
      %dma_wait3A_406 = tpu.memref_slice %arg18[%add3A_345] : memref<1048576xf32, #tpu.memory_space<vmem_shared>> -> memref<4096xf32, #tpu.memory_space<vmem_shared>>
      %dma_wait3A_407 = tpu.memref_slice %arg18[%add3A_345] : memref<1048576xf32, #tpu.memory_space<vmem_shared>> -> memref<4096xf32, #tpu.memory_space<vmem_shared>>
      tpu.wait_dma2 semaphore(%arg22 : memref<!tpu.dma_semaphore, #tpu.memory_space<semaphore_mem>>) src(%arg15 : memref<4096xf32, #tpu.memory_space<vmem>>) dst(%dma_wait3A_407 : memref<4096xf32, #tpu.memory_space<vmem_shared>>)
      %dma_wait3A_408 = tpu.memref_slice %arg18[%add3A_351] : memref<1048576xf32, #tpu.memory_space<vmem_shared>> -> memref<4096xf32, #tpu.memory_space<vmem_shared>>
      %dma_wait3A_409 = tpu.memref_slice %arg18[%add3A_351] : memref<1048576xf32, #tpu.memory_space<vmem_shared>> -> memref<4096xf32, #tpu.memory_space<vmem_shared>>
      tpu.wait_dma2 semaphore(%arg22 : memref<!tpu.dma_semaphore, #tpu.memory_space<semaphore_mem>>) src(%arg15 : memref<4096xf32, #tpu.memory_space<vmem>>) dst(%dma_wait3A_409 : memref<4096xf32, #tpu.memory_space<vmem_shared>>)
      %dma_wait3A_410 = tpu.memref_slice %arg18[%add3A_357] : memref<1048576xf32, #tpu.memory_space<vmem_shared>> -> memref<4096xf32, #tpu.memory_space<vmem_shared>>
      %dma_wait3A_411 = tpu.memref_slice %arg18[%add3A_357] : memref<1048576xf32, #tpu.memory_space<vmem_shared>> -> memref<4096xf32, #tpu.memory_space<vmem_shared>>
      tpu.wait_dma2 semaphore(%arg22 : memref<!tpu.dma_semaphore, #tpu.memory_space<semaphore_mem>>) src(%arg15 : memref<4096xf32, #tpu.memory_space<vmem>>) dst(%dma_wait3A_411 : memref<4096xf32, #tpu.memory_space<vmem_shared>>)
      %dma_wait3A_412 = tpu.memref_slice %arg18[%add3A_363] : memref<1048576xf32, #tpu.memory_space<vmem_shared>> -> memref<4096xf32, #tpu.memory_space<vmem_shared>>
      %dma_wait3A_413 = tpu.memref_slice %arg18[%add3A_363] : memref<1048576xf32, #tpu.memory_space<vmem_shared>> -> memref<4096xf32, #tpu.memory_space<vmem_shared>>
      tpu.wait_dma2 semaphore(%arg22 : memref<!tpu.dma_semaphore, #tpu.memory_space<semaphore_mem>>) src(%arg15 : memref<4096xf32, #tpu.memory_space<vmem>>) dst(%dma_wait3A_413 : memref<4096xf32, #tpu.memory_space<vmem_shared>>)
      %dma_wait3A_414 = tpu.memref_slice %arg18[%add3A_369] : memref<1048576xf32, #tpu.memory_space<vmem_shared>> -> memref<4096xf32, #tpu.memory_space<vmem_shared>>
      %dma_wait3A_415 = tpu.memref_slice %arg18[%add3A_369] : memref<1048576xf32, #tpu.memory_space<vmem_shared>> -> memref<4096xf32, #tpu.memory_space<vmem_shared>>
      tpu.wait_dma2 semaphore(%arg22 : memref<!tpu.dma_semaphore, #tpu.memory_space<semaphore_mem>>) src(%arg15 : memref<4096xf32, #tpu.memory_space<vmem>>) dst(%dma_wait3A_415 : memref<4096xf32, #tpu.memory_space<vmem_shared>>)
      %dma_wait3A_416 = tpu.memref_slice %arg18[%add3A_375] : memref<1048576xf32, #tpu.memory_space<vmem_shared>> -> memref<4096xf32, #tpu.memory_space<vmem_shared>>
      %dma_wait3A_417 = tpu.memref_slice %arg18[%add3A_375] : memref<1048576xf32, #tpu.memory_space<vmem_shared>> -> memref<4096xf32, #tpu.memory_space<vmem_shared>>
      tpu.wait_dma2 semaphore(%arg22 : memref<!tpu.dma_semaphore, #tpu.memory_space<semaphore_mem>>) src(%arg15 : memref<4096xf32, #tpu.memory_space<vmem>>) dst(%dma_wait3A_417 : memref<4096xf32, #tpu.memory_space<vmem_shared>>)
      %dma_wait3A_418 = tpu.memref_slice %arg18[%add3A_381] : memref<1048576xf32, #tpu.memory_space<vmem_shared>> -> memref<4096xf32, #tpu.memory_space<vmem_shared>>
      %dma_wait3A_419 = tpu.memref_slice %arg18[%add3A_381] : memref<1048576xf32, #tpu.memory_space<vmem_shared>> -> memref<4096xf32, #tpu.memory_space<vmem_shared>>
      tpu.wait_dma2 semaphore(%arg22 : memref<!tpu.dma_semaphore, #tpu.memory_space<semaphore_mem>>) src(%arg15 : memref<4096xf32, #tpu.memory_space<vmem>>) dst(%dma_wait3A_419 : memref<4096xf32, #tpu.memory_space<vmem_shared>>)
      %dma_wait3A_420 = tpu.memref_slice %arg18[%add3A_387] : memref<1048576xf32, #tpu.memory_space<vmem_shared>> -> memref<4096xf32, #tpu.memory_space<vmem_shared>>
      %dma_wait3A_421 = tpu.memref_slice %arg18[%add3A_387] : memref<1048576xf32, #tpu.memory_space<vmem_shared>> -> memref<4096xf32, #tpu.memory_space<vmem_shared>>
      tpu.wait_dma2 semaphore(%arg22 : memref<!tpu.dma_semaphore, #tpu.memory_space<semaphore_mem>>) src(%arg15 : memref<4096xf32, #tpu.memory_space<vmem>>) dst(%dma_wait3A_421 : memref<4096xf32, #tpu.memory_space<vmem_shared>>)
    } else {
    }
    %barrier3A = arith.constant 0 : index
    tpu.barrier barrier_id(%barrier3A)
    %mul3A_13 = arith.constant 32768 : i32
    %mul3A_14 = arith.muli %add3A, %mul3A_13 : i32
    %add3A_15 = arith.constant 0 : i32
    %add3A_16 = arith.addi %mul3A_14, %add3A_15 : i32
    %dma_start3A = tpu.memref_slice %arg2[%add3A_16] : memref<1048576xf32, #tpu.memory_space<hbm>> -> memref<4096xf32, #tpu.memory_space<hbm>>
    %dma_start3A_17 = tpu.memref_slice %arg2[%add3A_16] : memref<1048576xf32, #tpu.memory_space<hbm>> -> memref<4096xf32, #tpu.memory_space<hbm>>
    tpu.enqueue_dma source(%dma_start3A_17 : memref<4096xf32, #tpu.memory_space<hbm>>) target(%arg8 : memref<4096xf32, #tpu.memory_space<vmem>>) target_semaphore(%arg19 : memref<!tpu.dma_semaphore, #tpu.memory_space<semaphore_mem>>)
    %dma_start3A_18 = tpu.memref_slice %arg3[%add3A_16] : memref<1048576xf32, #tpu.memory_space<hbm>> -> memref<4096xf32, #tpu.memory_space<hbm>>
    %dma_start3A_19 = tpu.memref_slice %arg3[%add3A_16] : memref<1048576xf32, #tpu.memory_space<hbm>> -> memref<4096xf32, #tpu.memory_space<hbm>>
    tpu.enqueue_dma source(%dma_start3A_19 : memref<4096xf32, #tpu.memory_space<hbm>>) target(%arg10 : memref<4096xf32, #tpu.memory_space<vmem>>) target_semaphore(%arg19 : memref<!tpu.dma_semaphore, #tpu.memory_space<semaphore_mem>>)
    %mul3A_20 = arith.constant 32768 : i32
    %mul3A_21 = arith.muli %add3A, %mul3A_20 : i32
    %add3A_22 = arith.constant 4096 : i32
    %add3A_23 = arith.addi %mul3A_21, %add3A_22 : i32
    %dma_start3A_24 = tpu.memref_slice %arg2[%add3A_23] : memref<1048576xf32, #tpu.memory_space<hbm>> -> memref<4096xf32, #tpu.memory_space<hbm>>
    %dma_start3A_25 = tpu.memref_slice %arg2[%add3A_23] : memref<1048576xf32, #tpu.memory_space<hbm>> -> memref<4096xf32, #tpu.memory_space<hbm>>
    tpu.enqueue_dma source(%dma_start3A_25 : memref<4096xf32, #tpu.memory_space<hbm>>) target(%arg9 : memref<4096xf32, #tpu.memory_space<vmem>>) target_semaphore(%arg19 : memref<!tpu.dma_semaphore, #tpu.memory_space<semaphore_mem>>)
    %dma_start3A_26 = tpu.memref_slice %arg3[%add3A_23] : memref<1048576xf32, #tpu.memory_space<hbm>> -> memref<4096xf32, #tpu.memory_space<hbm>>
    %dma_start3A_27 = tpu.memref_slice %arg3[%add3A_23] : memref<1048576xf32, #tpu.memory_space<hbm>> -> memref<4096xf32, #tpu.memory_space<hbm>>
    tpu.enqueue_dma source(%dma_start3A_27 : memref<4096xf32, #tpu.memory_space<hbm>>) target(%arg11 : memref<4096xf32, #tpu.memory_space<vmem>>) target_semaphore(%arg19 : memref<!tpu.dma_semaphore, #tpu.memory_space<semaphore_mem>>)
    %dma_wait3A = tpu.memref_slice %arg2[%add3A_16] : memref<1048576xf32, #tpu.memory_space<hbm>> -> memref<4096xf32, #tpu.memory_space<hbm>>
    %dma_wait3A_28 = tpu.memref_slice %arg2[%add3A_16] : memref<1048576xf32, #tpu.memory_space<hbm>> -> memref<4096xf32, #tpu.memory_space<hbm>>
    tpu.wait_dma2 semaphore(%arg19 : memref<!tpu.dma_semaphore, #tpu.memory_space<semaphore_mem>>) src(%dma_wait3A_28 : memref<4096xf32, #tpu.memory_space<hbm>>) dst(%arg8 : memref<4096xf32, #tpu.memory_space<vmem>>)
    %dma_wait3A_29 = tpu.memref_slice %arg3[%add3A_16] : memref<1048576xf32, #tpu.memory_space<hbm>> -> memref<4096xf32, #tpu.memory_space<hbm>>
    %dma_wait3A_30 = tpu.memref_slice %arg3[%add3A_16] : memref<1048576xf32, #tpu.memory_space<hbm>> -> memref<4096xf32, #tpu.memory_space<hbm>>
    tpu.wait_dma2 semaphore(%arg19 : memref<!tpu.dma_semaphore, #tpu.memory_space<semaphore_mem>>) src(%dma_wait3A_30 : memref<4096xf32, #tpu.memory_space<hbm>>) dst(%arg10 : memref<4096xf32, #tpu.memory_space<vmem>>)
    %scan3A_31 = arith.constant 0 : i32
    %scan3A_32 = arith.constant 0 : i32
    %scan3A_33 = arith.constant 256 : i32
    %scan3A_34 = arith.addi %scan3A_32, %scan3A_33 : i32
    %scan3A_35 = arith.constant 1 : i32
    scf.for %scan3A_294 = %scan3A_32 to %scan3A_34 step %scan3A_35  : i32 {
      %mul3A_295 = arith.constant 16 : i32
      %mul3A_296 = arith.muli %scan3A_294, %mul3A_295 : i32
      %get3A = arith.index_cast %mul3A_296 : i32 to index
      %get3A_297 = tpu.vector_load %arg8[%get3A] {strides = array<i32>} : memref<4096xf32, #tpu.memory_space<vmem>>, vector<16xf32>,
      %get3A_298 = vector.shape_cast %get3A_297 : vector<16xf32> to vector<16xf32>
      %mul3A_299 = arith.constant 16 : i32
      %mul3A_300 = arith.muli %scan3A_294, %mul3A_299 : i32
      %get3A_301 = arith.index_cast %mul3A_300 : i32 to index
      %get3A_302 = tpu.vector_load %arg10[%get3A_301] {strides = array<i32>} : memref<4096xf32, #tpu.memory_space<vmem>>, vector<16xf32>,
      %get3A_303 = vector.shape_cast %get3A_302 : vector<16xf32> to vector<16xf32>
      %convert_element_type3A_304 = arith.fptosi %get3A_298 : vector<16xf32> to vector<16xi32>
      %max3A = arith.constant 0 : i32
      %max3A_305 = vector.broadcast %max3A : i32 to vector<16xi32>
      %max3A_306 = arith.maxsi %convert_element_type3A_304, %max3A_305 : vector<16xi32>
      %min3A = arith.constant 1023 : i32
      %min3A_307 = vector.broadcast %min3A : i32 to vector<16xi32>
      %min3A_308 = arith.minsi %max3A_306, %min3A_307 : vector<16xi32>
      %convert_element_type3A_309 = arith.fptosi %get3A_303 : vector<16xf32> to vector<16xi32>
      %max3A_310 = arith.constant 0 : i32
      %max3A_311 = vector.broadcast %max3A_310 : i32 to vector<16xi32>
      %max3A_312 = arith.maxsi %convert_element_type3A_309, %max3A_311 : vector<16xi32>
      %min3A_313 = arith.constant 1023 : i32
      %min3A_314 = vector.broadcast %min3A_313 : i32 to vector<16xi32>
      %min3A_315 = arith.minsi %max3A_312, %min3A_314 : vector<16xi32>
      %mul3A_316 = arith.constant 1024 : i32
      %mul3A_317 = vector.broadcast %mul3A_316 : i32 to vector<16xi32>
      %mul3A_318 = arith.muli %min3A_308, %mul3A_317 : vector<16xi32>
      %add3A_319 = arith.addi %mul3A_318, %min3A_315 : vector<16xi32>
      %mul3A_320 = arith.constant 16 : i32
      %mul3A_321 = arith.muli %scan3A_294, %mul3A_320 : i32
      %swap3A = arith.index_cast %mul3A_321 : i32 to index
      %swap3A_322 = tpu.vector_load %arg12[%swap3A] {strides = array<i32>} : memref<4096xi32, #tpu.memory_space<vmem>>, vector<16xi32>,
      %swap3A_323 = vector.shape_cast %swap3A_322 : vector<16xi32> to vector<16xi32>
      %swap3A_324 = vector.shape_cast %add3A_319 : vector<16xi32> to vector<16xi32>
      tpu.vector_store %arg12[%swap3A], %swap3A_324 {strides = array<i32>} : memref<4096xi32, #tpu.memory_space<vmem>>, vector<16xi32>,
    }
    %scan3A_36 = arith.constant 256 : i32
    %mul3A_37 = arith.constant 32768 : i32
    %mul3A_38 = arith.muli %add3A, %mul3A_37 : i32
    %add3A_39 = arith.constant 8192 : i32
    %add3A_40 = arith.addi %mul3A_38, %add3A_39 : i32
    %dma_start3A_41 = tpu.memref_slice %arg2[%add3A_40] : memref<1048576xf32, #tpu.memory_space<hbm>> -> memref<4096xf32, #tpu.memory_space<hbm>>
    %dma_start3A_42 = tpu.memref_slice %arg2[%add3A_40] : memref<1048576xf32, #tpu.memory_space<hbm>> -> memref<4096xf32, #tpu.memory_space<hbm>>
    tpu.enqueue_dma source(%dma_start3A_42 : memref<4096xf32, #tpu.memory_space<hbm>>) target(%arg8 : memref<4096xf32, #tpu.memory_space<vmem>>) target_semaphore(%arg19 : memref<!tpu.dma_semaphore, #tpu.memory_space<semaphore_mem>>)
    %dma_start3A_43 = tpu.memref_slice %arg3[%add3A_40] : memref<1048576xf32, #tpu.memory_space<hbm>> -> memref<4096xf32, #tpu.memory_space<hbm>>
    %dma_start3A_44 = tpu.memref_slice %arg3[%add3A_40] : memref<1048576xf32, #tpu.memory_space<hbm>> -> memref<4096xf32, #tpu.memory_space<hbm>>
    tpu.enqueue_dma source(%dma_start3A_44 : memref<4096xf32, #tpu.memory_space<hbm>>) target(%arg10 : memref<4096xf32, #tpu.memory_space<vmem>>) target_semaphore(%arg19 : memref<!tpu.dma_semaphore, #tpu.memory_space<semaphore_mem>>)
    %dma_start3A_45 = arith.constant 0 : i32
    %dma_start3A_46 = tpu.memref_slice %arg4[%dma_start3A_45] : memref<1048576xf32, #tpu.memory_space<hbm>> -> memref<1048576xf32, #tpu.memory_space<hbm>>
    tpu.enqueue_indirect_dma source(%dma_start3A_46 : memref<1048576xf32, #tpu.memory_space<hbm>>) target(%arg15 : memref<4096xf32, #tpu.memory_space<vmem>>) offsets(%arg12 : memref<4096xi32, #tpu.memory_space<vmem>>) semaphore(%arg20 : memref<!tpu.dma_semaphore, #tpu.memory_space<semaphore_mem>>)
    %dma_start3A_47 = arith.constant 0 : i32
    %dma_start3A_48 = tpu.memref_slice %arg18[%dma_start3A_47] : memref<1048576xf32, #tpu.memory_space<vmem_shared>> -> memref<1048576xf32, #tpu.memory_space<vmem_shared>>
    tpu.enqueue_indirect_dma source(%arg17 : memref<4096xf32, #tpu.memory_space<vmem>>) target(%dma_start3A_48 : memref<1048576xf32, #tpu.memory_space<vmem_shared>>) offsets(%arg12 : memref<4096xi32, #tpu.memory_space<vmem>>) semaphore(%arg21 : memref<!tpu.dma_semaphore, #tpu.memory_space<semaphore_mem>>) {add = true}
    %dma_wait3A_49 = tpu.memref_slice %arg2[%add3A_23] : memref<1048576xf32, #tpu.memory_space<hbm>> -> memref<4096xf32, #tpu.memory_space<hbm>>
    %dma_wait3A_50 = tpu.memref_slice %arg2[%add3A_23] : memref<1048576xf32, #tpu.memory_space<hbm>> -> memref<4096xf32, #tpu.memory_space<hbm>>
    tpu.wait_dma2 semaphore(%arg19 : memref<!tpu.dma_semaphore, #tpu.memory_space<semaphore_mem>>) src(%dma_wait3A_50 : memref<4096xf32, #tpu.memory_space<hbm>>) dst(%arg9 : memref<4096xf32, #tpu.memory_space<vmem>>)
    %dma_wait3A_51 = tpu.memref_slice %arg3[%add3A_23] : memref<1048576xf32, #tpu.memory_space<hbm>> -> memref<4096xf32, #tpu.memory_space<hbm>>
    %dma_wait3A_52 = tpu.memref_slice %arg3[%add3A_23] : memref<1048576xf32, #tpu.memory_space<hbm>> -> memref<4096xf32, #tpu.memory_space<hbm>>
    tpu.wait_dma2 semaphore(%arg19 : memref<!tpu.dma_semaphore, #tpu.memory_space<semaphore_mem>>) src(%dma_wait3A_52 : memref<4096xf32, #tpu.memory_space<hbm>>) dst(%arg11 : memref<4096xf32, #tpu.memory_space<vmem>>)
    %scan3A_53 = arith.constant 0 : i32
    %scan3A_54 = arith.constant 0 : i32
    %scan3A_55 = arith.constant 256 : i32
    %scan3A_56 = arith.addi %scan3A_54, %scan3A_55 : i32
    %scan3A_57 = arith.constant 1 : i32
    scf.for %scan3A_294 = %scan3A_54 to %scan3A_56 step %scan3A_57  : i32 {
      %mul3A_295 = arith.constant 16 : i32
      %mul3A_296 = arith.muli %scan3A_294, %mul3A_295 : i32
      %get3A = arith.index_cast %mul3A_296 : i32 to index
      %get3A_297 = tpu.vector_load %arg9[%get3A] {strides = array<i32>} : memref<4096xf32, #tpu.memory_space<vmem>>, vector<16xf32>,
      %get3A_298 = vector.shape_cast %get3A_297 : vector<16xf32> to vector<16xf32>
      %mul3A_299 = arith.constant 16 : i32
      %mul3A_300 = arith.muli %scan3A_294, %mul3A_299 : i32
      %get3A_301 = arith.index_cast %mul3A_300 : i32 to index
      %get3A_302 = tpu.vector_load %arg11[%get3A_301] {strides = array<i32>} : memref<4096xf32, #tpu.memory_space<vmem>>, vector<16xf32>,
      %get3A_303 = vector.shape_cast %get3A_302 : vector<16xf32> to vector<16xf32>
      %convert_element_type3A_304 = arith.fptosi %get3A_298 : vector<16xf32> to vector<16xi32>
      %max3A = arith.constant 0 : i32
      %max3A_305 = vector.broadcast %max3A : i32 to vector<16xi32>
      %max3A_306 = arith.maxsi %convert_element_type3A_304, %max3A_305 : vector<16xi32>
      %min3A = arith.constant 1023 : i32
      %min3A_307 = vector.broadcast %min3A : i32 to vector<16xi32>
      %min3A_308 = arith.minsi %max3A_306, %min3A_307 : vector<16xi32>
      %convert_element_type3A_309 = arith.fptosi %get3A_303 : vector<16xf32> to vector<16xi32>
      %max3A_310 = arith.constant 0 : i32
      %max3A_311 = vector.broadcast %max3A_310 : i32 to vector<16xi32>
      %max3A_312 = arith.maxsi %convert_element_type3A_309, %max3A_311 : vector<16xi32>
      %min3A_313 = arith.constant 1023 : i32
      %min3A_314 = vector.broadcast %min3A_313 : i32 to vector<16xi32>
      %min3A_315 = arith.minsi %max3A_312, %min3A_314 : vector<16xi32>
      %mul3A_316 = arith.constant 1024 : i32
      %mul3A_317 = vector.broadcast %mul3A_316 : i32 to vector<16xi32>
      %mul3A_318 = arith.muli %min3A_308, %mul3A_317 : vector<16xi32>
      %add3A_319 = arith.addi %mul3A_318, %min3A_315 : vector<16xi32>
      %mul3A_320 = arith.constant 16 : i32
      %mul3A_321 = arith.muli %scan3A_294, %mul3A_320 : i32
      %swap3A = arith.index_cast %mul3A_321 : i32 to index
      %swap3A_322 = tpu.vector_load %arg13[%swap3A] {strides = array<i32>} : memref<4096xi32, #tpu.memory_space<vmem>>, vector<16xi32>,
      %swap3A_323 = vector.shape_cast %swap3A_322 : vector<16xi32> to vector<16xi32>
      %swap3A_324 = vector.shape_cast %add3A_319 : vector<16xi32> to vector<16xi32>
      tpu.vector_store %arg13[%swap3A], %swap3A_324 {strides = array<i32>} : memref<4096xi32, #tpu.memory_space<vmem>>, vector<16xi32>,
    }
    %scan3A_58 = arith.constant 256 : i32
    %mul3A_59 = arith.constant 32768 : i32
    %mul3A_60 = arith.muli %add3A, %mul3A_59 : i32
    %add3A_61 = arith.constant 12288 : i32
    %add3A_62 = arith.addi %mul3A_60, %add3A_61 : i32
    %dma_start3A_63 = tpu.memref_slice %arg2[%add3A_62] : memref<1048576xf32, #tpu.memory_space<hbm>> -> memref<4096xf32, #tpu.memory_space<hbm>>
    %dma_start3A_64 = tpu.memref_slice %arg2[%add3A_62] : memref<1048576xf32, #tpu.memory_space<hbm>> -> memref<4096xf32, #tpu.memory_space<hbm>>
    tpu.enqueue_dma source(%dma_start3A_64 : memref<4096xf32, #tpu.memory_space<hbm>>) target(%arg9 : memref<4096xf32, #tpu.memory_space<vmem>>) target_semaphore(%arg19 : memref<!tpu.dma_semaphore, #tpu.memory_space<semaphore_mem>>)
    %dma_start3A_65 = tpu.memref_slice %arg3[%add3A_62] : memref<1048576xf32, #tpu.memory_space<hbm>> -> memref<4096xf32, #tpu.memory_space<hbm>>
    %dma_start3A_66 = tpu.memref_slice %arg3[%add3A_62] : memref<1048576xf32, #tpu.memory_space<hbm>> -> memref<4096xf32, #tpu.memory_space<hbm>>
    tpu.enqueue_dma source(%dma_start3A_66 : memref<4096xf32, #tpu.memory_space<hbm>>) target(%arg11 : memref<4096xf32, #tpu.memory_space<vmem>>) target_semaphore(%arg19 : memref<!tpu.dma_semaphore, #tpu.memory_space<semaphore_mem>>)
    %dma_start3A_67 = arith.constant 0 : i32
    %dma_start3A_68 = tpu.memref_slice %arg4[%dma_start3A_67] : memref<1048576xf32, #tpu.memory_space<hbm>> -> memref<1048576xf32, #tpu.memory_space<hbm>>
    tpu.enqueue_indirect_dma source(%dma_start3A_68 : memref<1048576xf32, #tpu.memory_space<hbm>>) target(%arg16 : memref<4096xf32, #tpu.memory_space<vmem>>) offsets(%arg13 : memref<4096xi32, #tpu.memory_space<vmem>>) semaphore(%arg20 : memref<!tpu.dma_semaphore, #tpu.memory_space<semaphore_mem>>)
    %dma_start3A_69 = arith.constant 0 : i32
    %dma_start3A_70 = tpu.memref_slice %arg18[%dma_start3A_69] : memref<1048576xf32, #tpu.memory_space<vmem_shared>> -> memref<1048576xf32, #tpu.memory_space<vmem_shared>>
    tpu.enqueue_indirect_dma source(%arg17 : memref<4096xf32, #tpu.memory_space<vmem>>) target(%dma_start3A_70 : memref<1048576xf32, #tpu.memory_space<vmem_shared>>) offsets(%arg13 : memref<4096xi32, #tpu.memory_space<vmem>>) semaphore(%arg21 : memref<!tpu.dma_semaphore, #tpu.memory_space<semaphore_mem>>) {add = true}
    %dma_wait3A_71 = arith.constant 0 : i32
    %dma_wait3A_72 = tpu.memref_slice %arg4[%dma_wait3A_71] : memref<1048576xf32, #tpu.memory_space<hbm>> -> memref<1048576xf32, #tpu.memory_space<hbm>>
    tpu.wait_indirect_dma semaphore(%arg20 : memref<!tpu.dma_semaphore, #tpu.memory_space<semaphore_mem>>) src(%dma_wait3A_72 : memref<1048576xf32, #tpu.memory_space<hbm>>) dst(%arg15 : memref<4096xf32, #tpu.memory_space<vmem>>)
    %mul3A_73 = arith.constant 32768 : i32
    %mul3A_74 = arith.muli %add3A, %mul3A_73 : i32
    %add3A_75 = arith.constant 0 : i32
    %add3A_76 = arith.addi %mul3A_74, %add3A_75 : i32
    %dma_start3A_77 = tpu.memref_slice %arg5[%add3A_76] : memref<1048576xf32, #tpu.memory_space<hbm>> -> memref<4096xf32, #tpu.memory_space<hbm>>
    %dma_start3A_78 = tpu.memref_slice %arg5[%add3A_76] : memref<1048576xf32, #tpu.memory_space<hbm>> -> memref<4096xf32, #tpu.memory_space<hbm>>
    tpu.enqueue_dma source(%arg15 : memref<4096xf32, #tpu.memory_space<vmem>>) target(%dma_start3A_78 : memref<4096xf32, #tpu.memory_space<hbm>>) target_semaphore(%arg22 : memref<!tpu.dma_semaphore, #tpu.memory_space<semaphore_mem>>)
    %dma_wait3A_79 = tpu.memref_slice %arg2[%add3A_40] : memref<1048576xf32, #tpu.memory_space<hbm>> -> memref<4096xf32, #tpu.memory_space<hbm>>
    %dma_wait3A_80 = tpu.memref_slice %arg2[%add3A_40] : memref<1048576xf32, #tpu.memory_space<hbm>> -> memref<4096xf32, #tpu.memory_space<hbm>>
    tpu.wait_dma2 semaphore(%arg19 : memref<!tpu.dma_semaphore, #tpu.memory_space<semaphore_mem>>) src(%dma_wait3A_80 : memref<4096xf32, #tpu.memory_space<hbm>>) dst(%arg8 : memref<4096xf32, #tpu.memory_space<vmem>>)
    %dma_wait3A_81 = tpu.memref_slice %arg3[%add3A_40] : memref<1048576xf32, #tpu.memory_space<hbm>> -> memref<4096xf32, #tpu.memory_space<hbm>>
    %dma_wait3A_82 = tpu.memref_slice %arg3[%add3A_40] : memref<1048576xf32, #tpu.memory_space<hbm>> -> memref<4096xf32, #tpu.memory_space<hbm>>
    tpu.wait_dma2 semaphore(%arg19 : memref<!tpu.dma_semaphore, #tpu.memory_space<semaphore_mem>>) src(%dma_wait3A_82 : memref<4096xf32, #tpu.memory_space<hbm>>) dst(%arg10 : memref<4096xf32, #tpu.memory_space<vmem>>)
    %scan3A_83 = arith.constant 0 : i32
    %scan3A_84 = arith.constant 0 : i32
    %scan3A_85 = arith.constant 256 : i32
    %scan3A_86 = arith.addi %scan3A_84, %scan3A_85 : i32
    %scan3A_87 = arith.constant 1 : i32
    scf.for %scan3A_294 = %scan3A_84 to %scan3A_86 step %scan3A_87  : i32 {
      %mul3A_295 = arith.constant 16 : i32
      %mul3A_296 = arith.muli %scan3A_294, %mul3A_295 : i32
      %get3A = arith.index_cast %mul3A_296 : i32 to index
      %get3A_297 = tpu.vector_load %arg8[%get3A] {strides = array<i32>} : memref<4096xf32, #tpu.memory_space<vmem>>, vector<16xf32>,
      %get3A_298 = vector.shape_cast %get3A_297 : vector<16xf32> to vector<16xf32>
      %mul3A_299 = arith.constant 16 : i32
      %mul3A_300 = arith.muli %scan3A_294, %mul3A_299 : i32
      %get3A_301 = arith.index_cast %mul3A_300 : i32 to index
      %get3A_302 = tpu.vector_load %arg10[%get3A_301] {strides = array<i32>} : memref<4096xf32, #tpu.memory_space<vmem>>, vector<16xf32>,
      %get3A_303 = vector.shape_cast %get3A_302 : vector<16xf32> to vector<16xf32>
      %convert_element_type3A_304 = arith.fptosi %get3A_298 : vector<16xf32> to vector<16xi32>
      %max3A = arith.constant 0 : i32
      %max3A_305 = vector.broadcast %max3A : i32 to vector<16xi32>
      %max3A_306 = arith.maxsi %convert_element_type3A_304, %max3A_305 : vector<16xi32>
      %min3A = arith.constant 1023 : i32
      %min3A_307 = vector.broadcast %min3A : i32 to vector<16xi32>
      %min3A_308 = arith.minsi %max3A_306, %min3A_307 : vector<16xi32>
      %convert_element_type3A_309 = arith.fptosi %get3A_303 : vector<16xf32> to vector<16xi32>
      %max3A_310 = arith.constant 0 : i32
      %max3A_311 = vector.broadcast %max3A_310 : i32 to vector<16xi32>
      %max3A_312 = arith.maxsi %convert_element_type3A_309, %max3A_311 : vector<16xi32>
      %min3A_313 = arith.constant 1023 : i32
      %min3A_314 = vector.broadcast %min3A_313 : i32 to vector<16xi32>
      %min3A_315 = arith.minsi %max3A_312, %min3A_314 : vector<16xi32>
      %mul3A_316 = arith.constant 1024 : i32
      %mul3A_317 = vector.broadcast %mul3A_316 : i32 to vector<16xi32>
      %mul3A_318 = arith.muli %min3A_308, %mul3A_317 : vector<16xi32>
      %add3A_319 = arith.addi %mul3A_318, %min3A_315 : vector<16xi32>
      %mul3A_320 = arith.constant 16 : i32
      %mul3A_321 = arith.muli %scan3A_294, %mul3A_320 : i32
      %swap3A = arith.index_cast %mul3A_321 : i32 to index
      %swap3A_322 = tpu.vector_load %arg14[%swap3A] {strides = array<i32>} : memref<4096xi32, #tpu.memory_space<vmem>>, vector<16xi32>,
      %swap3A_323 = vector.shape_cast %swap3A_322 : vector<16xi32> to vector<16xi32>
      %swap3A_324 = vector.shape_cast %add3A_319 : vector<16xi32> to vector<16xi32>
      tpu.vector_store %arg14[%swap3A], %swap3A_324 {strides = array<i32>} : memref<4096xi32, #tpu.memory_space<vmem>>, vector<16xi32>,
    }
    %scan3A_88 = arith.constant 256 : i32
    %mul3A_89 = arith.constant 32768 : i32
    %mul3A_90 = arith.muli %add3A, %mul3A_89 : i32
    %add3A_91 = arith.constant 16384 : i32
    %add3A_92 = arith.addi %mul3A_90, %add3A_91 : i32
    %dma_start3A_93 = tpu.memref_slice %arg2[%add3A_92] : memref<1048576xf32, #tpu.memory_space<hbm>> -> memref<4096xf32, #tpu.memory_space<hbm>>
    %dma_start3A_94 = tpu.memref_slice %arg2[%add3A_92] : memref<1048576xf32, #tpu.memory_space<hbm>> -> memref<4096xf32, #tpu.memory_space<hbm>>
    tpu.enqueue_dma source(%dma_start3A_94 : memref<4096xf32, #tpu.memory_space<hbm>>) target(%arg8 : memref<4096xf32, #tpu.memory_space<vmem>>) target_semaphore(%arg19 : memref<!tpu.dma_semaphore, #tpu.memory_space<semaphore_mem>>)
    %dma_start3A_95 = tpu.memref_slice %arg3[%add3A_92] : memref<1048576xf32, #tpu.memory_space<hbm>> -> memref<4096xf32, #tpu.memory_space<hbm>>
    %dma_start3A_96 = tpu.memref_slice %arg3[%add3A_92] : memref<1048576xf32, #tpu.memory_space<hbm>> -> memref<4096xf32, #tpu.memory_space<hbm>>
    tpu.enqueue_dma source(%dma_start3A_96 : memref<4096xf32, #tpu.memory_space<hbm>>) target(%arg10 : memref<4096xf32, #tpu.memory_space<vmem>>) target_semaphore(%arg19 : memref<!tpu.dma_semaphore, #tpu.memory_space<semaphore_mem>>)
    %dma_wait3A_97 = tpu.memref_slice %arg5[%add3A_76] : memref<1048576xf32, #tpu.memory_space<hbm>> -> memref<4096xf32, #tpu.memory_space<hbm>>
    %dma_wait3A_98 = tpu.memref_slice %arg5[%add3A_76] : memref<1048576xf32, #tpu.memory_space<hbm>> -> memref<4096xf32, #tpu.memory_space<hbm>>
    tpu.wait_dma2 semaphore(%arg22 : memref<!tpu.dma_semaphore, #tpu.memory_space<semaphore_mem>>) src(%arg15 : memref<4096xf32, #tpu.memory_space<vmem>>) dst(%dma_wait3A_98 : memref<4096xf32, #tpu.memory_space<hbm>>)
    %dma_start3A_99 = arith.constant 0 : i32
    %dma_start3A_100 = tpu.memref_slice %arg4[%dma_start3A_99] : memref<1048576xf32, #tpu.memory_space<hbm>> -> memref<1048576xf32, #tpu.memory_space<hbm>>
    tpu.enqueue_indirect_dma source(%dma_start3A_100 : memref<1048576xf32, #tpu.memory_space<hbm>>) target(%arg15 : memref<4096xf32, #tpu.memory_space<vmem>>) offsets(%arg14 : memref<4096xi32, #tpu.memory_space<vmem>>) semaphore(%arg20 : memref<!tpu.dma_semaphore, #tpu.memory_space<semaphore_mem>>)
    %dma_start3A_101 = arith.constant 0 : i32
    %dma_start3A_102 = tpu.memref_slice %arg18[%dma_start3A_101] : memref<1048576xf32, #tpu.memory_space<vmem_shared>> -> memref<1048576xf32, #tpu.memory_space<vmem_shared>>
    tpu.enqueue_indirect_dma source(%arg17 : memref<4096xf32, #tpu.memory_space<vmem>>) target(%dma_start3A_102 : memref<1048576xf32, #tpu.memory_space<vmem_shared>>) offsets(%arg14 : memref<4096xi32, #tpu.memory_space<vmem>>) semaphore(%arg21 : memref<!tpu.dma_semaphore, #tpu.memory_space<semaphore_mem>>) {add = true}
    %dma_wait3A_103 = arith.constant 0 : i32
    %dma_wait3A_104 = tpu.memref_slice %arg4[%dma_wait3A_103] : memref<1048576xf32, #tpu.memory_space<hbm>> -> memref<1048576xf32, #tpu.memory_space<hbm>>
    tpu.wait_indirect_dma semaphore(%arg20 : memref<!tpu.dma_semaphore, #tpu.memory_space<semaphore_mem>>) src(%dma_wait3A_104 : memref<1048576xf32, #tpu.memory_space<hbm>>) dst(%arg16 : memref<4096xf32, #tpu.memory_space<vmem>>)
    %mul3A_105 = arith.constant 32768 : i32
    %mul3A_106 = arith.muli %add3A, %mul3A_105 : i32
    %add3A_107 = arith.constant 4096 : i32
    %add3A_108 = arith.addi %mul3A_106, %add3A_107 : i32
    %dma_start3A_109 = tpu.memref_slice %arg5[%add3A_108] : memref<1048576xf32, #tpu.memory_space<hbm>> -> memref<4096xf32, #tpu.memory_space<hbm>>
    %dma_start3A_110 = tpu.memref_slice %arg5[%add3A_108] : memref<1048576xf32, #tpu.memory_space<hbm>> -> memref<4096xf32, #tpu.memory_space<hbm>>
    tpu.enqueue_dma source(%arg16 : memref<4096xf32, #tpu.memory_space<vmem>>) target(%dma_start3A_110 : memref<4096xf32, #tpu.memory_space<hbm>>) target_semaphore(%arg22 : memref<!tpu.dma_semaphore, #tpu.memory_space<semaphore_mem>>)
    %dma_wait3A_111 = arith.constant 0 : i32
    %dma_wait3A_112 = tpu.memref_slice %arg18[%dma_wait3A_111] : memref<1048576xf32, #tpu.memory_space<vmem_shared>> -> memref<1048576xf32, #tpu.memory_space<vmem_shared>>
    tpu.wait_indirect_dma semaphore(%arg21 : memref<!tpu.dma_semaphore, #tpu.memory_space<semaphore_mem>>) src(%arg17 : memref<4096xf32, #tpu.memory_space<vmem>>) dst(%dma_wait3A_112 : memref<1048576xf32, #tpu.memory_space<vmem_shared>>)
    %dma_wait3A_113 = tpu.memref_slice %arg2[%add3A_62] : memref<1048576xf32, #tpu.memory_space<hbm>> -> memref<4096xf32, #tpu.memory_space<hbm>>
    %dma_wait3A_114 = tpu.memref_slice %arg2[%add3A_62] : memref<1048576xf32, #tpu.memory_space<hbm>> -> memref<4096xf32, #tpu.memory_space<hbm>>
    tpu.wait_dma2 semaphore(%arg19 : memref<!tpu.dma_semaphore, #tpu.memory_space<semaphore_mem>>) src(%dma_wait3A_114 : memref<4096xf32, #tpu.memory_space<hbm>>) dst(%arg9 : memref<4096xf32, #tpu.memory_space<vmem>>)
    %dma_wait3A_115 = tpu.memref_slice %arg3[%add3A_62] : memref<1048576xf32, #tpu.memory_space<hbm>> -> memref<4096xf32, #tpu.memory_space<hbm>>
    %dma_wait3A_116 = tpu.memref_slice %arg3[%add3A_62] : memref<1048576xf32, #tpu.memory_space<hbm>> -> memref<4096xf32, #tpu.memory_space<hbm>>
    tpu.wait_dma2 semaphore(%arg19 : memref<!tpu.dma_semaphore, #tpu.memory_space<semaphore_mem>>) src(%dma_wait3A_116 : memref<4096xf32, #tpu.memory_space<hbm>>) dst(%arg11 : memref<4096xf32, #tpu.memory_space<vmem>>)
    %scan3A_117 = arith.constant 0 : i32
    %scan3A_118 = arith.constant 0 : i32
    %scan3A_119 = arith.constant 256 : i32
    %scan3A_120 = arith.addi %scan3A_118, %scan3A_119 : i32
    %scan3A_121 = arith.constant 1 : i32
    scf.for %scan3A_294 = %scan3A_118 to %scan3A_120 step %scan3A_121  : i32 {
      %mul3A_295 = arith.constant 16 : i32
      %mul3A_296 = arith.muli %scan3A_294, %mul3A_295 : i32
      %get3A = arith.index_cast %mul3A_296 : i32 to index
      %get3A_297 = tpu.vector_load %arg9[%get3A] {strides = array<i32>} : memref<4096xf32, #tpu.memory_space<vmem>>, vector<16xf32>,
      %get3A_298 = vector.shape_cast %get3A_297 : vector<16xf32> to vector<16xf32>
      %mul3A_299 = arith.constant 16 : i32
      %mul3A_300 = arith.muli %scan3A_294, %mul3A_299 : i32
      %get3A_301 = arith.index_cast %mul3A_300 : i32 to index
      %get3A_302 = tpu.vector_load %arg11[%get3A_301] {strides = array<i32>} : memref<4096xf32, #tpu.memory_space<vmem>>, vector<16xf32>,
      %get3A_303 = vector.shape_cast %get3A_302 : vector<16xf32> to vector<16xf32>
      %convert_element_type3A_304 = arith.fptosi %get3A_298 : vector<16xf32> to vector<16xi32>
      %max3A = arith.constant 0 : i32
      %max3A_305 = vector.broadcast %max3A : i32 to vector<16xi32>
      %max3A_306 = arith.maxsi %convert_element_type3A_304, %max3A_305 : vector<16xi32>
      %min3A = arith.constant 1023 : i32
      %min3A_307 = vector.broadcast %min3A : i32 to vector<16xi32>
      %min3A_308 = arith.minsi %max3A_306, %min3A_307 : vector<16xi32>
      %convert_element_type3A_309 = arith.fptosi %get3A_303 : vector<16xf32> to vector<16xi32>
      %max3A_310 = arith.constant 0 : i32
      %max3A_311 = vector.broadcast %max3A_310 : i32 to vector<16xi32>
      %max3A_312 = arith.maxsi %convert_element_type3A_309, %max3A_311 : vector<16xi32>
      %min3A_313 = arith.constant 1023 : i32
      %min3A_314 = vector.broadcast %min3A_313 : i32 to vector<16xi32>
      %min3A_315 = arith.minsi %max3A_312, %min3A_314 : vector<16xi32>
      %mul3A_316 = arith.constant 1024 : i32
      %mul3A_317 = vector.broadcast %mul3A_316 : i32 to vector<16xi32>
      %mul3A_318 = arith.muli %min3A_308, %mul3A_317 : vector<16xi32>
      %add3A_319 = arith.addi %mul3A_318, %min3A_315 : vector<16xi32>
      %mul3A_320 = arith.constant 16 : i32
      %mul3A_321 = arith.muli %scan3A_294, %mul3A_320 : i32
      %swap3A = arith.index_cast %mul3A_321 : i32 to index
      %swap3A_322 = tpu.vector_load %arg12[%swap3A] {strides = array<i32>} : memref<4096xi32, #tpu.memory_space<vmem>>, vector<16xi32>,
      %swap3A_323 = vector.shape_cast %swap3A_322 : vector<16xi32> to vector<16xi32>
      %swap3A_324 = vector.shape_cast %add3A_319 : vector<16xi32> to vector<16xi32>
      tpu.vector_store %arg12[%swap3A], %swap3A_324 {strides = array<i32>} : memref<4096xi32, #tpu.memory_space<vmem>>, vector<16xi32>,
    }
    %scan3A_122 = arith.constant 256 : i32
    %mul3A_123 = arith.constant 32768 : i32
    %mul3A_124 = arith.muli %add3A, %mul3A_123 : i32
    %add3A_125 = arith.constant 20480 : i32
    %add3A_126 = arith.addi %mul3A_124, %add3A_125 : i32
    %dma_start3A_127 = tpu.memref_slice %arg2[%add3A_126] : memref<1048576xf32, #tpu.memory_space<hbm>> -> memref<4096xf32, #tpu.memory_space<hbm>>
    %dma_start3A_128 = tpu.memref_slice %arg2[%add3A_126] : memref<1048576xf32, #tpu.memory_space<hbm>> -> memref<4096xf32, #tpu.memory_space<hbm>>
    tpu.enqueue_dma source(%dma_start3A_128 : memref<4096xf32, #tpu.memory_space<hbm>>) target(%arg9 : memref<4096xf32, #tpu.memory_space<vmem>>) target_semaphore(%arg19 : memref<!tpu.dma_semaphore, #tpu.memory_space<semaphore_mem>>)
    %dma_start3A_129 = tpu.memref_slice %arg3[%add3A_126] : memref<1048576xf32, #tpu.memory_space<hbm>> -> memref<4096xf32, #tpu.memory_space<hbm>>
    %dma_start3A_130 = tpu.memref_slice %arg3[%add3A_126] : memref<1048576xf32, #tpu.memory_space<hbm>> -> memref<4096xf32, #tpu.memory_space<hbm>>
    tpu.enqueue_dma source(%dma_start3A_130 : memref<4096xf32, #tpu.memory_space<hbm>>) target(%arg11 : memref<4096xf32, #tpu.memory_space<vmem>>) target_semaphore(%arg19 : memref<!tpu.dma_semaphore, #tpu.memory_space<semaphore_mem>>)
    %dma_wait3A_131 = tpu.memref_slice %arg5[%add3A_108] : memref<1048576xf32, #tpu.memory_space<hbm>> -> memref<4096xf32, #tpu.memory_space<hbm>>
    %dma_wait3A_132 = tpu.memref_slice %arg5[%add3A_108] : memref<1048576xf32, #tpu.memory_space<hbm>> -> memref<4096xf32, #tpu.memory_space<hbm>>
    tpu.wait_dma2 semaphore(%arg22 : memref<!tpu.dma_semaphore, #tpu.memory_space<semaphore_mem>>) src(%arg16 : memref<4096xf32, #tpu.memory_space<vmem>>) dst(%dma_wait3A_132 : memref<4096xf32, #tpu.memory_space<hbm>>)
    %dma_start3A_133 = arith.constant 0 : i32
    %dma_start3A_134 = tpu.memref_slice %arg4[%dma_start3A_133] : memref<1048576xf32, #tpu.memory_space<hbm>> -> memref<1048576xf32, #tpu.memory_space<hbm>>
    tpu.enqueue_indirect_dma source(%dma_start3A_134 : memref<1048576xf32, #tpu.memory_space<hbm>>) target(%arg16 : memref<4096xf32, #tpu.memory_space<vmem>>) offsets(%arg12 : memref<4096xi32, #tpu.memory_space<vmem>>) semaphore(%arg20 : memref<!tpu.dma_semaphore, #tpu.memory_space<semaphore_mem>>)
    %dma_start3A_135 = arith.constant 0 : i32
    %dma_start3A_136 = tpu.memref_slice %arg18[%dma_start3A_135] : memref<1048576xf32, #tpu.memory_space<vmem_shared>> -> memref<1048576xf32, #tpu.memory_space<vmem_shared>>
    tpu.enqueue_indirect_dma source(%arg17 : memref<4096xf32, #tpu.memory_space<vmem>>) target(%dma_start3A_136 : memref<1048576xf32, #tpu.memory_space<vmem_shared>>) offsets(%arg12 : memref<4096xi32, #tpu.memory_space<vmem>>) semaphore(%arg21 : memref<!tpu.dma_semaphore, #tpu.memory_space<semaphore_mem>>) {add = true}
    %dma_wait3A_137 = arith.constant 0 : i32
    %dma_wait3A_138 = tpu.memref_slice %arg4[%dma_wait3A_137] : memref<1048576xf32, #tpu.memory_space<hbm>> -> memref<1048576xf32, #tpu.memory_space<hbm>>
    tpu.wait_indirect_dma semaphore(%arg20 : memref<!tpu.dma_semaphore, #tpu.memory_space<semaphore_mem>>) src(%dma_wait3A_138 : memref<1048576xf32, #tpu.memory_space<hbm>>) dst(%arg15 : memref<4096xf32, #tpu.memory_space<vmem>>)
    %mul3A_139 = arith.constant 32768 : i32
    %mul3A_140 = arith.muli %add3A, %mul3A_139 : i32
    %add3A_141 = arith.constant 8192 : i32
    %add3A_142 = arith.addi %mul3A_140, %add3A_141 : i32
    %dma_start3A_143 = tpu.memref_slice %arg5[%add3A_142] : memref<1048576xf32, #tpu.memory_space<hbm>> -> memref<4096xf32, #tpu.memory_space<hbm>>
    %dma_start3A_144 = tpu.memref_slice %arg5[%add3A_142] : memref<1048576xf32, #tpu.memory_space<hbm>> -> memref<4096xf32, #tpu.memory_space<hbm>>
    tpu.enqueue_dma source(%arg15 : memref<4096xf32, #tpu.memory_space<vmem>>) target(%dma_start3A_144 : memref<4096xf32, #tpu.memory_space<hbm>>) target_semaphore(%arg22 : memref<!tpu.dma_semaphore, #tpu.memory_space<semaphore_mem>>)
    %dma_wait3A_145 = arith.constant 0 : i32
    %dma_wait3A_146 = tpu.memref_slice %arg18[%dma_wait3A_145] : memref<1048576xf32, #tpu.memory_space<vmem_shared>> -> memref<1048576xf32, #tpu.memory_space<vmem_shared>>
    tpu.wait_indirect_dma semaphore(%arg21 : memref<!tpu.dma_semaphore, #tpu.memory_space<semaphore_mem>>) src(%arg17 : memref<4096xf32, #tpu.memory_space<vmem>>) dst(%dma_wait3A_146 : memref<1048576xf32, #tpu.memory_space<vmem_shared>>)
    %dma_wait3A_147 = tpu.memref_slice %arg2[%add3A_92] : memref<1048576xf32, #tpu.memory_space<hbm>> -> memref<4096xf32, #tpu.memory_space<hbm>>
    %dma_wait3A_148 = tpu.memref_slice %arg2[%add3A_92] : memref<1048576xf32, #tpu.memory_space<hbm>> -> memref<4096xf32, #tpu.memory_space<hbm>>
    tpu.wait_dma2 semaphore(%arg19 : memref<!tpu.dma_semaphore, #tpu.memory_space<semaphore_mem>>) src(%dma_wait3A_148 : memref<4096xf32, #tpu.memory_space<hbm>>) dst(%arg8 : memref<4096xf32, #tpu.memory_space<vmem>>)
    %dma_wait3A_149 = tpu.memref_slice %arg3[%add3A_92] : memref<1048576xf32, #tpu.memory_space<hbm>> -> memref<4096xf32, #tpu.memory_space<hbm>>
    %dma_wait3A_150 = tpu.memref_slice %arg3[%add3A_92] : memref<1048576xf32, #tpu.memory_space<hbm>> -> memref<4096xf32, #tpu.memory_space<hbm>>
    tpu.wait_dma2 semaphore(%arg19 : memref<!tpu.dma_semaphore, #tpu.memory_space<semaphore_mem>>) src(%dma_wait3A_150 : memref<4096xf32, #tpu.memory_space<hbm>>) dst(%arg10 : memref<4096xf32, #tpu.memory_space<vmem>>)
    %scan3A_151 = arith.constant 0 : i32
    %scan3A_152 = arith.constant 0 : i32
    %scan3A_153 = arith.constant 256 : i32
    %scan3A_154 = arith.addi %scan3A_152, %scan3A_153 : i32
    %scan3A_155 = arith.constant 1 : i32
    scf.for %scan3A_294 = %scan3A_152 to %scan3A_154 step %scan3A_155  : i32 {
      %mul3A_295 = arith.constant 16 : i32
      %mul3A_296 = arith.muli %scan3A_294, %mul3A_295 : i32
      %get3A = arith.index_cast %mul3A_296 : i32 to index
      %get3A_297 = tpu.vector_load %arg8[%get3A] {strides = array<i32>} : memref<4096xf32, #tpu.memory_space<vmem>>, vector<16xf32>,
      %get3A_298 = vector.shape_cast %get3A_297 : vector<16xf32> to vector<16xf32>
      %mul3A_299 = arith.constant 16 : i32
      %mul3A_300 = arith.muli %scan3A_294, %mul3A_299 : i32
      %get3A_301 = arith.index_cast %mul3A_300 : i32 to index
      %get3A_302 = tpu.vector_load %arg10[%get3A_301] {strides = array<i32>} : memref<4096xf32, #tpu.memory_space<vmem>>, vector<16xf32>,
      %get3A_303 = vector.shape_cast %get3A_302 : vector<16xf32> to vector<16xf32>
      %convert_element_type3A_304 = arith.fptosi %get3A_298 : vector<16xf32> to vector<16xi32>
      %max3A = arith.constant 0 : i32
      %max3A_305 = vector.broadcast %max3A : i32 to vector<16xi32>
      %max3A_306 = arith.maxsi %convert_element_type3A_304, %max3A_305 : vector<16xi32>
      %min3A = arith.constant 1023 : i32
      %min3A_307 = vector.broadcast %min3A : i32 to vector<16xi32>
      %min3A_308 = arith.minsi %max3A_306, %min3A_307 : vector<16xi32>
      %convert_element_type3A_309 = arith.fptosi %get3A_303 : vector<16xf32> to vector<16xi32>
      %max3A_310 = arith.constant 0 : i32
      %max3A_311 = vector.broadcast %max3A_310 : i32 to vector<16xi32>
      %max3A_312 = arith.maxsi %convert_element_type3A_309, %max3A_311 : vector<16xi32>
      %min3A_313 = arith.constant 1023 : i32
      %min3A_314 = vector.broadcast %min3A_313 : i32 to vector<16xi32>
      %min3A_315 = arith.minsi %max3A_312, %min3A_314 : vector<16xi32>
      %mul3A_316 = arith.constant 1024 : i32
      %mul3A_317 = vector.broadcast %mul3A_316 : i32 to vector<16xi32>
      %mul3A_318 = arith.muli %min3A_308, %mul3A_317 : vector<16xi32>
      %add3A_319 = arith.addi %mul3A_318, %min3A_315 : vector<16xi32>
      %mul3A_320 = arith.constant 16 : i32
      %mul3A_321 = arith.muli %scan3A_294, %mul3A_320 : i32
      %swap3A = arith.index_cast %mul3A_321 : i32 to index
      %swap3A_322 = tpu.vector_load %arg13[%swap3A] {strides = array<i32>} : memref<4096xi32, #tpu.memory_space<vmem>>, vector<16xi32>,
      %swap3A_323 = vector.shape_cast %swap3A_322 : vector<16xi32> to vector<16xi32>
      %swap3A_324 = vector.shape_cast %add3A_319 : vector<16xi32> to vector<16xi32>
      tpu.vector_store %arg13[%swap3A], %swap3A_324 {strides = array<i32>} : memref<4096xi32, #tpu.memory_space<vmem>>, vector<16xi32>,
    }
    %scan3A_156 = arith.constant 256 : i32
    %mul3A_157 = arith.constant 32768 : i32
    %mul3A_158 = arith.muli %add3A, %mul3A_157 : i32
    %add3A_159 = arith.constant 24576 : i32
    %add3A_160 = arith.addi %mul3A_158, %add3A_159 : i32
    %dma_start3A_161 = tpu.memref_slice %arg2[%add3A_160] : memref<1048576xf32, #tpu.memory_space<hbm>> -> memref<4096xf32, #tpu.memory_space<hbm>>
    %dma_start3A_162 = tpu.memref_slice %arg2[%add3A_160] : memref<1048576xf32, #tpu.memory_space<hbm>> -> memref<4096xf32, #tpu.memory_space<hbm>>
    tpu.enqueue_dma source(%dma_start3A_162 : memref<4096xf32, #tpu.memory_space<hbm>>) target(%arg8 : memref<4096xf32, #tpu.memory_space<vmem>>) target_semaphore(%arg19 : memref<!tpu.dma_semaphore, #tpu.memory_space<semaphore_mem>>)
    %dma_start3A_163 = tpu.memref_slice %arg3[%add3A_160] : memref<1048576xf32, #tpu.memory_space<hbm>> -> memref<4096xf32, #tpu.memory_space<hbm>>
    %dma_start3A_164 = tpu.memref_slice %arg3[%add3A_160] : memref<1048576xf32, #tpu.memory_space<hbm>> -> memref<4096xf32, #tpu.memory_space<hbm>>
    tpu.enqueue_dma source(%dma_start3A_164 : memref<4096xf32, #tpu.memory_space<hbm>>) target(%arg10 : memref<4096xf32, #tpu.memory_space<vmem>>) target_semaphore(%arg19 : memref<!tpu.dma_semaphore, #tpu.memory_space<semaphore_mem>>)
    %dma_wait3A_165 = tpu.memref_slice %arg5[%add3A_142] : memref<1048576xf32, #tpu.memory_space<hbm>> -> memref<4096xf32, #tpu.memory_space<hbm>>
    %dma_wait3A_166 = tpu.memref_slice %arg5[%add3A_142] : memref<1048576xf32, #tpu.memory_space<hbm>> -> memref<4096xf32, #tpu.memory_space<hbm>>
    tpu.wait_dma2 semaphore(%arg22 : memref<!tpu.dma_semaphore, #tpu.memory_space<semaphore_mem>>) src(%arg15 : memref<4096xf32, #tpu.memory_space<vmem>>) dst(%dma_wait3A_166 : memref<4096xf32, #tpu.memory_space<hbm>>)
    %dma_start3A_167 = arith.constant 0 : i32
    %dma_start3A_168 = tpu.memref_slice %arg4[%dma_start3A_167] : memref<1048576xf32, #tpu.memory_space<hbm>> -> memref<1048576xf32, #tpu.memory_space<hbm>>
    tpu.enqueue_indirect_dma source(%dma_start3A_168 : memref<1048576xf32, #tpu.memory_space<hbm>>) target(%arg15 : memref<4096xf32, #tpu.memory_space<vmem>>) offsets(%arg13 : memref<4096xi32, #tpu.memory_space<vmem>>) semaphore(%arg20 : memref<!tpu.dma_semaphore, #tpu.memory_space<semaphore_mem>>)
    %dma_start3A_169 = arith.constant 0 : i32
    %dma_start3A_170 = tpu.memref_slice %arg18[%dma_start3A_169] : memref<1048576xf32, #tpu.memory_space<vmem_shared>> -> memref<1048576xf32, #tpu.memory_space<vmem_shared>>
    tpu.enqueue_indirect_dma source(%arg17 : memref<4096xf32, #tpu.memory_space<vmem>>) target(%dma_start3A_170 : memref<1048576xf32, #tpu.memory_space<vmem_shared>>) offsets(%arg13 : memref<4096xi32, #tpu.memory_space<vmem>>) semaphore(%arg21 : memref<!tpu.dma_semaphore, #tpu.memory_space<semaphore_mem>>) {add = true}
    %dma_wait3A_171 = arith.constant 0 : i32
    %dma_wait3A_172 = tpu.memref_slice %arg4[%dma_wait3A_171] : memref<1048576xf32, #tpu.memory_space<hbm>> -> memref<1048576xf32, #tpu.memory_space<hbm>>
    tpu.wait_indirect_dma semaphore(%arg20 : memref<!tpu.dma_semaphore, #tpu.memory_space<semaphore_mem>>) src(%dma_wait3A_172 : memref<1048576xf32, #tpu.memory_space<hbm>>) dst(%arg16 : memref<4096xf32, #tpu.memory_space<vmem>>)
    %mul3A_173 = arith.constant 32768 : i32
    %mul3A_174 = arith.muli %add3A, %mul3A_173 : i32
    %add3A_175 = arith.constant 12288 : i32
    %add3A_176 = arith.addi %mul3A_174, %add3A_175 : i32
    %dma_start3A_177 = tpu.memref_slice %arg5[%add3A_176] : memref<1048576xf32, #tpu.memory_space<hbm>> -> memref<4096xf32, #tpu.memory_space<hbm>>
    %dma_start3A_178 = tpu.memref_slice %arg5[%add3A_176] : memref<1048576xf32, #tpu.memory_space<hbm>> -> memref<4096xf32, #tpu.memory_space<hbm>>
    tpu.enqueue_dma source(%arg16 : memref<4096xf32, #tpu.memory_space<vmem>>) target(%dma_start3A_178 : memref<4096xf32, #tpu.memory_space<hbm>>) target_semaphore(%arg22 : memref<!tpu.dma_semaphore, #tpu.memory_space<semaphore_mem>>)
    %dma_wait3A_179 = arith.constant 0 : i32
    %dma_wait3A_180 = tpu.memref_slice %arg18[%dma_wait3A_179] : memref<1048576xf32, #tpu.memory_space<vmem_shared>> -> memref<1048576xf32, #tpu.memory_space<vmem_shared>>
    tpu.wait_indirect_dma semaphore(%arg21 : memref<!tpu.dma_semaphore, #tpu.memory_space<semaphore_mem>>) src(%arg17 : memref<4096xf32, #tpu.memory_space<vmem>>) dst(%dma_wait3A_180 : memref<1048576xf32, #tpu.memory_space<vmem_shared>>)
    %dma_wait3A_181 = tpu.memref_slice %arg2[%add3A_126] : memref<1048576xf32, #tpu.memory_space<hbm>> -> memref<4096xf32, #tpu.memory_space<hbm>>
    %dma_wait3A_182 = tpu.memref_slice %arg2[%add3A_126] : memref<1048576xf32, #tpu.memory_space<hbm>> -> memref<4096xf32, #tpu.memory_space<hbm>>
    tpu.wait_dma2 semaphore(%arg19 : memref<!tpu.dma_semaphore, #tpu.memory_space<semaphore_mem>>) src(%dma_wait3A_182 : memref<4096xf32, #tpu.memory_space<hbm>>) dst(%arg9 : memref<4096xf32, #tpu.memory_space<vmem>>)
    %dma_wait3A_183 = tpu.memref_slice %arg3[%add3A_126] : memref<1048576xf32, #tpu.memory_space<hbm>> -> memref<4096xf32, #tpu.memory_space<hbm>>
    %dma_wait3A_184 = tpu.memref_slice %arg3[%add3A_126] : memref<1048576xf32, #tpu.memory_space<hbm>> -> memref<4096xf32, #tpu.memory_space<hbm>>
    tpu.wait_dma2 semaphore(%arg19 : memref<!tpu.dma_semaphore, #tpu.memory_space<semaphore_mem>>) src(%dma_wait3A_184 : memref<4096xf32, #tpu.memory_space<hbm>>) dst(%arg11 : memref<4096xf32, #tpu.memory_space<vmem>>)
    %scan3A_185 = arith.constant 0 : i32
    %scan3A_186 = arith.constant 0 : i32
    %scan3A_187 = arith.constant 256 : i32
    %scan3A_188 = arith.addi %scan3A_186, %scan3A_187 : i32
    %scan3A_189 = arith.constant 1 : i32
    scf.for %scan3A_294 = %scan3A_186 to %scan3A_188 step %scan3A_189  : i32 {
      %mul3A_295 = arith.constant 16 : i32
      %mul3A_296 = arith.muli %scan3A_294, %mul3A_295 : i32
      %get3A = arith.index_cast %mul3A_296 : i32 to index
      %get3A_297 = tpu.vector_load %arg9[%get3A] {strides = array<i32>} : memref<4096xf32, #tpu.memory_space<vmem>>, vector<16xf32>,
      %get3A_298 = vector.shape_cast %get3A_297 : vector<16xf32> to vector<16xf32>
      %mul3A_299 = arith.constant 16 : i32
      %mul3A_300 = arith.muli %scan3A_294, %mul3A_299 : i32
      %get3A_301 = arith.index_cast %mul3A_300 : i32 to index
      %get3A_302 = tpu.vector_load %arg11[%get3A_301] {strides = array<i32>} : memref<4096xf32, #tpu.memory_space<vmem>>, vector<16xf32>,
      %get3A_303 = vector.shape_cast %get3A_302 : vector<16xf32> to vector<16xf32>
      %convert_element_type3A_304 = arith.fptosi %get3A_298 : vector<16xf32> to vector<16xi32>
      %max3A = arith.constant 0 : i32
      %max3A_305 = vector.broadcast %max3A : i32 to vector<16xi32>
      %max3A_306 = arith.maxsi %convert_element_type3A_304, %max3A_305 : vector<16xi32>
      %min3A = arith.constant 1023 : i32
      %min3A_307 = vector.broadcast %min3A : i32 to vector<16xi32>
      %min3A_308 = arith.minsi %max3A_306, %min3A_307 : vector<16xi32>
      %convert_element_type3A_309 = arith.fptosi %get3A_303 : vector<16xf32> to vector<16xi32>
      %max3A_310 = arith.constant 0 : i32
      %max3A_311 = vector.broadcast %max3A_310 : i32 to vector<16xi32>
      %max3A_312 = arith.maxsi %convert_element_type3A_309, %max3A_311 : vector<16xi32>
      %min3A_313 = arith.constant 1023 : i32
      %min3A_314 = vector.broadcast %min3A_313 : i32 to vector<16xi32>
      %min3A_315 = arith.minsi %max3A_312, %min3A_314 : vector<16xi32>
      %mul3A_316 = arith.constant 1024 : i32
      %mul3A_317 = vector.broadcast %mul3A_316 : i32 to vector<16xi32>
      %mul3A_318 = arith.muli %min3A_308, %mul3A_317 : vector<16xi32>
      %add3A_319 = arith.addi %mul3A_318, %min3A_315 : vector<16xi32>
      %mul3A_320 = arith.constant 16 : i32
      %mul3A_321 = arith.muli %scan3A_294, %mul3A_320 : i32
      %swap3A = arith.index_cast %mul3A_321 : i32 to index
      %swap3A_322 = tpu.vector_load %arg14[%swap3A] {strides = array<i32>} : memref<4096xi32, #tpu.memory_space<vmem>>, vector<16xi32>,
      %swap3A_323 = vector.shape_cast %swap3A_322 : vector<16xi32> to vector<16xi32>
      %swap3A_324 = vector.shape_cast %add3A_319 : vector<16xi32> to vector<16xi32>
      tpu.vector_store %arg14[%swap3A], %swap3A_324 {strides = array<i32>} : memref<4096xi32, #tpu.memory_space<vmem>>, vector<16xi32>,
    }
    %scan3A_190 = arith.constant 256 : i32
    %mul3A_191 = arith.constant 32768 : i32
    %mul3A_192 = arith.muli %add3A, %mul3A_191 : i32
    %add3A_193 = arith.constant 28672 : i32
    %add3A_194 = arith.addi %mul3A_192, %add3A_193 : i32
    %dma_start3A_195 = tpu.memref_slice %arg2[%add3A_194] : memref<1048576xf32, #tpu.memory_space<hbm>> -> memref<4096xf32, #tpu.memory_space<hbm>>
    %dma_start3A_196 = tpu.memref_slice %arg2[%add3A_194] : memref<1048576xf32, #tpu.memory_space<hbm>> -> memref<4096xf32, #tpu.memory_space<hbm>>
    tpu.enqueue_dma source(%dma_start3A_196 : memref<4096xf32, #tpu.memory_space<hbm>>) target(%arg9 : memref<4096xf32, #tpu.memory_space<vmem>>) target_semaphore(%arg19 : memref<!tpu.dma_semaphore, #tpu.memory_space<semaphore_mem>>)
    %dma_start3A_197 = tpu.memref_slice %arg3[%add3A_194] : memref<1048576xf32, #tpu.memory_space<hbm>> -> memref<4096xf32, #tpu.memory_space<hbm>>
    %dma_start3A_198 = tpu.memref_slice %arg3[%add3A_194] : memref<1048576xf32, #tpu.memory_space<hbm>> -> memref<4096xf32, #tpu.memory_space<hbm>>
    tpu.enqueue_dma source(%dma_start3A_198 : memref<4096xf32, #tpu.memory_space<hbm>>) target(%arg11 : memref<4096xf32, #tpu.memory_space<vmem>>) target_semaphore(%arg19 : memref<!tpu.dma_semaphore, #tpu.memory_space<semaphore_mem>>)
    %dma_wait3A_199 = tpu.memref_slice %arg5[%add3A_176] : memref<1048576xf32, #tpu.memory_space<hbm>> -> memref<4096xf32, #tpu.memory_space<hbm>>
    %dma_wait3A_200 = tpu.memref_slice %arg5[%add3A_176] : memref<1048576xf32, #tpu.memory_space<hbm>> -> memref<4096xf32, #tpu.memory_space<hbm>>
    tpu.wait_dma2 semaphore(%arg22 : memref<!tpu.dma_semaphore, #tpu.memory_space<semaphore_mem>>) src(%arg16 : memref<4096xf32, #tpu.memory_space<vmem>>) dst(%dma_wait3A_200 : memref<4096xf32, #tpu.memory_space<hbm>>)
    %dma_start3A_201 = arith.constant 0 : i32
    %dma_start3A_202 = tpu.memref_slice %arg4[%dma_start3A_201] : memref<1048576xf32, #tpu.memory_space<hbm>> -> memref<1048576xf32, #tpu.memory_space<hbm>>
    tpu.enqueue_indirect_dma source(%dma_start3A_202 : memref<1048576xf32, #tpu.memory_space<hbm>>) target(%arg16 : memref<4096xf32, #tpu.memory_space<vmem>>) offsets(%arg14 : memref<4096xi32, #tpu.memory_space<vmem>>) semaphore(%arg20 : memref<!tpu.dma_semaphore, #tpu.memory_space<semaphore_mem>>)
    %dma_start3A_203 = arith.constant 0 : i32
    %dma_start3A_204 = tpu.memref_slice %arg18[%dma_start3A_203] : memref<1048576xf32, #tpu.memory_space<vmem_shared>> -> memref<1048576xf32, #tpu.memory_space<vmem_shared>>
    tpu.enqueue_indirect_dma source(%arg17 : memref<4096xf32, #tpu.memory_space<vmem>>) target(%dma_start3A_204 : memref<1048576xf32, #tpu.memory_space<vmem_shared>>) offsets(%arg14 : memref<4096xi32, #tpu.memory_space<vmem>>) semaphore(%arg21 : memref<!tpu.dma_semaphore, #tpu.memory_space<semaphore_mem>>) {add = true}
    %dma_wait3A_205 = arith.constant 0 : i32
    %dma_wait3A_206 = tpu.memref_slice %arg4[%dma_wait3A_205] : memref<1048576xf32, #tpu.memory_space<hbm>> -> memref<1048576xf32, #tpu.memory_space<hbm>>
    tpu.wait_indirect_dma semaphore(%arg20 : memref<!tpu.dma_semaphore, #tpu.memory_space<semaphore_mem>>) src(%dma_wait3A_206 : memref<1048576xf32, #tpu.memory_space<hbm>>) dst(%arg15 : memref<4096xf32, #tpu.memory_space<vmem>>)
    %mul3A_207 = arith.constant 32768 : i32
    %mul3A_208 = arith.muli %add3A, %mul3A_207 : i32
    %add3A_209 = arith.constant 16384 : i32
    %add3A_210 = arith.addi %mul3A_208, %add3A_209 : i32
    %dma_start3A_211 = tpu.memref_slice %arg5[%add3A_210] : memref<1048576xf32, #tpu.memory_space<hbm>> -> memref<4096xf32, #tpu.memory_space<hbm>>
    %dma_start3A_212 = tpu.memref_slice %arg5[%add3A_210] : memref<1048576xf32, #tpu.memory_space<hbm>> -> memref<4096xf32, #tpu.memory_space<hbm>>
    tpu.enqueue_dma source(%arg15 : memref<4096xf32, #tpu.memory_space<vmem>>) target(%dma_start3A_212 : memref<4096xf32, #tpu.memory_space<hbm>>) target_semaphore(%arg22 : memref<!tpu.dma_semaphore, #tpu.memory_space<semaphore_mem>>)
    %dma_wait3A_213 = arith.constant 0 : i32
    %dma_wait3A_214 = tpu.memref_slice %arg18[%dma_wait3A_213] : memref<1048576xf32, #tpu.memory_space<vmem_shared>> -> memref<1048576xf32, #tpu.memory_space<vmem_shared>>
    tpu.wait_indirect_dma semaphore(%arg21 : memref<!tpu.dma_semaphore, #tpu.memory_space<semaphore_mem>>) src(%arg17 : memref<4096xf32, #tpu.memory_space<vmem>>) dst(%dma_wait3A_214 : memref<1048576xf32, #tpu.memory_space<vmem_shared>>)
    %dma_wait3A_215 = tpu.memref_slice %arg2[%add3A_160] : memref<1048576xf32, #tpu.memory_space<hbm>> -> memref<4096xf32, #tpu.memory_space<hbm>>
    %dma_wait3A_216 = tpu.memref_slice %arg2[%add3A_160] : memref<1048576xf32, #tpu.memory_space<hbm>> -> memref<4096xf32, #tpu.memory_space<hbm>>
    tpu.wait_dma2 semaphore(%arg19 : memref<!tpu.dma_semaphore, #tpu.memory_space<semaphore_mem>>) src(%dma_wait3A_216 : memref<4096xf32, #tpu.memory_space<hbm>>) dst(%arg8 : memref<4096xf32, #tpu.memory_space<vmem>>)
    %dma_wait3A_217 = tpu.memref_slice %arg3[%add3A_160] : memref<1048576xf32, #tpu.memory_space<hbm>> -> memref<4096xf32, #tpu.memory_space<hbm>>
    %dma_wait3A_218 = tpu.memref_slice %arg3[%add3A_160] : memref<1048576xf32, #tpu.memory_space<hbm>> -> memref<4096xf32, #tpu.memory_space<hbm>>
    tpu.wait_dma2 semaphore(%arg19 : memref<!tpu.dma_semaphore, #tpu.memory_space<semaphore_mem>>) src(%dma_wait3A_218 : memref<4096xf32, #tpu.memory_space<hbm>>) dst(%arg10 : memref<4096xf32, #tpu.memory_space<vmem>>)
    %scan3A_219 = arith.constant 0 : i32
    %scan3A_220 = arith.constant 0 : i32
    %scan3A_221 = arith.constant 256 : i32
    %scan3A_222 = arith.addi %scan3A_220, %scan3A_221 : i32
    %scan3A_223 = arith.constant 1 : i32
    scf.for %scan3A_294 = %scan3A_220 to %scan3A_222 step %scan3A_223  : i32 {
      %mul3A_295 = arith.constant 16 : i32
      %mul3A_296 = arith.muli %scan3A_294, %mul3A_295 : i32
      %get3A = arith.index_cast %mul3A_296 : i32 to index
      %get3A_297 = tpu.vector_load %arg8[%get3A] {strides = array<i32>} : memref<4096xf32, #tpu.memory_space<vmem>>, vector<16xf32>,
      %get3A_298 = vector.shape_cast %get3A_297 : vector<16xf32> to vector<16xf32>
      %mul3A_299 = arith.constant 16 : i32
      %mul3A_300 = arith.muli %scan3A_294, %mul3A_299 : i32
      %get3A_301 = arith.index_cast %mul3A_300 : i32 to index
      %get3A_302 = tpu.vector_load %arg10[%get3A_301] {strides = array<i32>} : memref<4096xf32, #tpu.memory_space<vmem>>, vector<16xf32>,
      %get3A_303 = vector.shape_cast %get3A_302 : vector<16xf32> to vector<16xf32>
      %convert_element_type3A_304 = arith.fptosi %get3A_298 : vector<16xf32> to vector<16xi32>
      %max3A = arith.constant 0 : i32
      %max3A_305 = vector.broadcast %max3A : i32 to vector<16xi32>
      %max3A_306 = arith.maxsi %convert_element_type3A_304, %max3A_305 : vector<16xi32>
      %min3A = arith.constant 1023 : i32
      %min3A_307 = vector.broadcast %min3A : i32 to vector<16xi32>
      %min3A_308 = arith.minsi %max3A_306, %min3A_307 : vector<16xi32>
      %convert_element_type3A_309 = arith.fptosi %get3A_303 : vector<16xf32> to vector<16xi32>
      %max3A_310 = arith.constant 0 : i32
      %max3A_311 = vector.broadcast %max3A_310 : i32 to vector<16xi32>
      %max3A_312 = arith.maxsi %convert_element_type3A_309, %max3A_311 : vector<16xi32>
      %min3A_313 = arith.constant 1023 : i32
      %min3A_314 = vector.broadcast %min3A_313 : i32 to vector<16xi32>
      %min3A_315 = arith.minsi %max3A_312, %min3A_314 : vector<16xi32>
      %mul3A_316 = arith.constant 1024 : i32
      %mul3A_317 = vector.broadcast %mul3A_316 : i32 to vector<16xi32>
      %mul3A_318 = arith.muli %min3A_308, %mul3A_317 : vector<16xi32>
      %add3A_319 = arith.addi %mul3A_318, %min3A_315 : vector<16xi32>
      %mul3A_320 = arith.constant 16 : i32
      %mul3A_321 = arith.muli %scan3A_294, %mul3A_320 : i32
      %swap3A = arith.index_cast %mul3A_321 : i32 to index
      %swap3A_322 = tpu.vector_load %arg12[%swap3A] {strides = array<i32>} : memref<4096xi32, #tpu.memory_space<vmem>>, vector<16xi32>,
      %swap3A_323 = vector.shape_cast %swap3A_322 : vector<16xi32> to vector<16xi32>
      %swap3A_324 = vector.shape_cast %add3A_319 : vector<16xi32> to vector<16xi32>
      tpu.vector_store %arg12[%swap3A], %swap3A_324 {strides = array<i32>} : memref<4096xi32, #tpu.memory_space<vmem>>, vector<16xi32>,
    }
    %scan3A_224 = arith.constant 256 : i32
    %dma_wait3A_225 = tpu.memref_slice %arg5[%add3A_210] : memref<1048576xf32, #tpu.memory_space<hbm>> -> memref<4096xf32, #tpu.memory_space<hbm>>
    %dma_wait3A_226 = tpu.memref_slice %arg5[%add3A_210] : memref<1048576xf32, #tpu.memory_space<hbm>> -> memref<4096xf32, #tpu.memory_space<hbm>>
    tpu.wait_dma2 semaphore(%arg22 : memref<!tpu.dma_semaphore, #tpu.memory_space<semaphore_mem>>) src(%arg15 : memref<4096xf32, #tpu.memory_space<vmem>>) dst(%dma_wait3A_226 : memref<4096xf32, #tpu.memory_space<hbm>>)
    %dma_start3A_227 = arith.constant 0 : i32
    %dma_start3A_228 = tpu.memref_slice %arg4[%dma_start3A_227] : memref<1048576xf32, #tpu.memory_space<hbm>> -> memref<1048576xf32, #tpu.memory_space<hbm>>
    tpu.enqueue_indirect_dma source(%dma_start3A_228 : memref<1048576xf32, #tpu.memory_space<hbm>>) target(%arg15 : memref<4096xf32, #tpu.memory_space<vmem>>) offsets(%arg12 : memref<4096xi32, #tpu.memory_space<vmem>>) semaphore(%arg20 : memref<!tpu.dma_semaphore, #tpu.memory_space<semaphore_mem>>)
    %dma_start3A_229 = arith.constant 0 : i32
    %dma_start3A_230 = tpu.memref_slice %arg18[%dma_start3A_229] : memref<1048576xf32, #tpu.memory_space<vmem_shared>> -> memref<1048576xf32, #tpu.memory_space<vmem_shared>>
    tpu.enqueue_indirect_dma source(%arg17 : memref<4096xf32, #tpu.memory_space<vmem>>) target(%dma_start3A_230 : memref<1048576xf32, #tpu.memory_space<vmem_shared>>) offsets(%arg12 : memref<4096xi32, #tpu.memory_space<vmem>>) semaphore(%arg21 : memref<!tpu.dma_semaphore, #tpu.memory_space<semaphore_mem>>) {add = true}
    %dma_wait3A_231 = arith.constant 0 : i32
    %dma_wait3A_232 = tpu.memref_slice %arg4[%dma_wait3A_231] : memref<1048576xf32, #tpu.memory_space<hbm>> -> memref<1048576xf32, #tpu.memory_space<hbm>>
    tpu.wait_indirect_dma semaphore(%arg20 : memref<!tpu.dma_semaphore, #tpu.memory_space<semaphore_mem>>) src(%dma_wait3A_232 : memref<1048576xf32, #tpu.memory_space<hbm>>) dst(%arg16 : memref<4096xf32, #tpu.memory_space<vmem>>)
    %mul3A_233 = arith.constant 32768 : i32
    %mul3A_234 = arith.muli %add3A, %mul3A_233 : i32
    %add3A_235 = arith.constant 20480 : i32
    %add3A_236 = arith.addi %mul3A_234, %add3A_235 : i32
    %dma_start3A_237 = tpu.memref_slice %arg5[%add3A_236] : memref<1048576xf32, #tpu.memory_space<hbm>> -> memref<4096xf32, #tpu.memory_space<hbm>>
    %dma_start3A_238 = tpu.memref_slice %arg5[%add3A_236] : memref<1048576xf32, #tpu.memory_space<hbm>> -> memref<4096xf32, #tpu.memory_space<hbm>>
    tpu.enqueue_dma source(%arg16 : memref<4096xf32, #tpu.memory_space<vmem>>) target(%dma_start3A_238 : memref<4096xf32, #tpu.memory_space<hbm>>) target_semaphore(%arg22 : memref<!tpu.dma_semaphore, #tpu.memory_space<semaphore_mem>>)
    %dma_wait3A_239 = arith.constant 0 : i32
    %dma_wait3A_240 = tpu.memref_slice %arg18[%dma_wait3A_239] : memref<1048576xf32, #tpu.memory_space<vmem_shared>> -> memref<1048576xf32, #tpu.memory_space<vmem_shared>>
    tpu.wait_indirect_dma semaphore(%arg21 : memref<!tpu.dma_semaphore, #tpu.memory_space<semaphore_mem>>) src(%arg17 : memref<4096xf32, #tpu.memory_space<vmem>>) dst(%dma_wait3A_240 : memref<1048576xf32, #tpu.memory_space<vmem_shared>>)
    %dma_wait3A_241 = tpu.memref_slice %arg2[%add3A_194] : memref<1048576xf32, #tpu.memory_space<hbm>> -> memref<4096xf32, #tpu.memory_space<hbm>>
    %dma_wait3A_242 = tpu.memref_slice %arg2[%add3A_194] : memref<1048576xf32, #tpu.memory_space<hbm>> -> memref<4096xf32, #tpu.memory_space<hbm>>
    tpu.wait_dma2 semaphore(%arg19 : memref<!tpu.dma_semaphore, #tpu.memory_space<semaphore_mem>>) src(%dma_wait3A_242 : memref<4096xf32, #tpu.memory_space<hbm>>) dst(%arg9 : memref<4096xf32, #tpu.memory_space<vmem>>)
    %dma_wait3A_243 = tpu.memref_slice %arg3[%add3A_194] : memref<1048576xf32, #tpu.memory_space<hbm>> -> memref<4096xf32, #tpu.memory_space<hbm>>
    %dma_wait3A_244 = tpu.memref_slice %arg3[%add3A_194] : memref<1048576xf32, #tpu.memory_space<hbm>> -> memref<4096xf32, #tpu.memory_space<hbm>>
    tpu.wait_dma2 semaphore(%arg19 : memref<!tpu.dma_semaphore, #tpu.memory_space<semaphore_mem>>) src(%dma_wait3A_244 : memref<4096xf32, #tpu.memory_space<hbm>>) dst(%arg11 : memref<4096xf32, #tpu.memory_space<vmem>>)
    %scan3A_245 = arith.constant 0 : i32
    %scan3A_246 = arith.constant 0 : i32
    %scan3A_247 = arith.constant 256 : i32
    %scan3A_248 = arith.addi %scan3A_246, %scan3A_247 : i32
    %scan3A_249 = arith.constant 1 : i32
    scf.for %scan3A_294 = %scan3A_246 to %scan3A_248 step %scan3A_249  : i32 {
      %mul3A_295 = arith.constant 16 : i32
      %mul3A_296 = arith.muli %scan3A_294, %mul3A_295 : i32
      %get3A = arith.index_cast %mul3A_296 : i32 to index
      %get3A_297 = tpu.vector_load %arg9[%get3A] {strides = array<i32>} : memref<4096xf32, #tpu.memory_space<vmem>>, vector<16xf32>,
      %get3A_298 = vector.shape_cast %get3A_297 : vector<16xf32> to vector<16xf32>
      %mul3A_299 = arith.constant 16 : i32
      %mul3A_300 = arith.muli %scan3A_294, %mul3A_299 : i32
      %get3A_301 = arith.index_cast %mul3A_300 : i32 to index
      %get3A_302 = tpu.vector_load %arg11[%get3A_301] {strides = array<i32>} : memref<4096xf32, #tpu.memory_space<vmem>>, vector<16xf32>,
      %get3A_303 = vector.shape_cast %get3A_302 : vector<16xf32> to vector<16xf32>
      %convert_element_type3A_304 = arith.fptosi %get3A_298 : vector<16xf32> to vector<16xi32>
      %max3A = arith.constant 0 : i32
      %max3A_305 = vector.broadcast %max3A : i32 to vector<16xi32>
      %max3A_306 = arith.maxsi %convert_element_type3A_304, %max3A_305 : vector<16xi32>
      %min3A = arith.constant 1023 : i32
      %min3A_307 = vector.broadcast %min3A : i32 to vector<16xi32>
      %min3A_308 = arith.minsi %max3A_306, %min3A_307 : vector<16xi32>
      %convert_element_type3A_309 = arith.fptosi %get3A_303 : vector<16xf32> to vector<16xi32>
      %max3A_310 = arith.constant 0 : i32
      %max3A_311 = vector.broadcast %max3A_310 : i32 to vector<16xi32>
      %max3A_312 = arith.maxsi %convert_element_type3A_309, %max3A_311 : vector<16xi32>
      %min3A_313 = arith.constant 1023 : i32
      %min3A_314 = vector.broadcast %min3A_313 : i32 to vector<16xi32>
      %min3A_315 = arith.minsi %max3A_312, %min3A_314 : vector<16xi32>
      %mul3A_316 = arith.constant 1024 : i32
      %mul3A_317 = vector.broadcast %mul3A_316 : i32 to vector<16xi32>
      %mul3A_318 = arith.muli %min3A_308, %mul3A_317 : vector<16xi32>
      %add3A_319 = arith.addi %mul3A_318, %min3A_315 : vector<16xi32>
      %mul3A_320 = arith.constant 16 : i32
      %mul3A_321 = arith.muli %scan3A_294, %mul3A_320 : i32
      %swap3A = arith.index_cast %mul3A_321 : i32 to index
      %swap3A_322 = tpu.vector_load %arg13[%swap3A] {strides = array<i32>} : memref<4096xi32, #tpu.memory_space<vmem>>, vector<16xi32>,
      %swap3A_323 = vector.shape_cast %swap3A_322 : vector<16xi32> to vector<16xi32>
      %swap3A_324 = vector.shape_cast %add3A_319 : vector<16xi32> to vector<16xi32>
      tpu.vector_store %arg13[%swap3A], %swap3A_324 {strides = array<i32>} : memref<4096xi32, #tpu.memory_space<vmem>>, vector<16xi32>,
    }
    %scan3A_250 = arith.constant 256 : i32
    %dma_wait3A_251 = tpu.memref_slice %arg5[%add3A_236] : memref<1048576xf32, #tpu.memory_space<hbm>> -> memref<4096xf32, #tpu.memory_space<hbm>>
    %dma_wait3A_252 = tpu.memref_slice %arg5[%add3A_236] : memref<1048576xf32, #tpu.memory_space<hbm>> -> memref<4096xf32, #tpu.memory_space<hbm>>
    tpu.wait_dma2 semaphore(%arg22 : memref<!tpu.dma_semaphore, #tpu.memory_space<semaphore_mem>>) src(%arg16 : memref<4096xf32, #tpu.memory_space<vmem>>) dst(%dma_wait3A_252 : memref<4096xf32, #tpu.memory_space<hbm>>)
    %dma_start3A_253 = arith.constant 0 : i32
    %dma_start3A_254 = tpu.memref_slice %arg4[%dma_start3A_253] : memref<1048576xf32, #tpu.memory_space<hbm>> -> memref<1048576xf32, #tpu.memory_space<hbm>>
    tpu.enqueue_indirect_dma source(%dma_start3A_254 : memref<1048576xf32, #tpu.memory_space<hbm>>) target(%arg16 : memref<4096xf32, #tpu.memory_space<vmem>>) offsets(%arg13 : memref<4096xi32, #tpu.memory_space<vmem>>) semaphore(%arg20 : memref<!tpu.dma_semaphore, #tpu.memory_space<semaphore_mem>>)
    %dma_start3A_255 = arith.constant 0 : i32
    %dma_start3A_256 = tpu.memref_slice %arg18[%dma_start3A_255] : memref<1048576xf32, #tpu.memory_space<vmem_shared>> -> memref<1048576xf32, #tpu.memory_space<vmem_shared>>
    tpu.enqueue_indirect_dma source(%arg17 : memref<4096xf32, #tpu.memory_space<vmem>>) target(%dma_start3A_256 : memref<1048576xf32, #tpu.memory_space<vmem_shared>>) offsets(%arg13 : memref<4096xi32, #tpu.memory_space<vmem>>) semaphore(%arg21 : memref<!tpu.dma_semaphore, #tpu.memory_space<semaphore_mem>>) {add = true}
    %dma_wait3A_257 = arith.constant 0 : i32
    %dma_wait3A_258 = tpu.memref_slice %arg4[%dma_wait3A_257] : memref<1048576xf32, #tpu.memory_space<hbm>> -> memref<1048576xf32, #tpu.memory_space<hbm>>
    tpu.wait_indirect_dma semaphore(%arg20 : memref<!tpu.dma_semaphore, #tpu.memory_space<semaphore_mem>>) src(%dma_wait3A_258 : memref<1048576xf32, #tpu.memory_space<hbm>>) dst(%arg15 : memref<4096xf32, #tpu.memory_space<vmem>>)
    %mul3A_259 = arith.constant 32768 : i32
    %mul3A_260 = arith.muli %add3A, %mul3A_259 : i32
    %add3A_261 = arith.constant 24576 : i32
    %add3A_262 = arith.addi %mul3A_260, %add3A_261 : i32
    %dma_start3A_263 = tpu.memref_slice %arg5[%add3A_262] : memref<1048576xf32, #tpu.memory_space<hbm>> -> memref<4096xf32, #tpu.memory_space<hbm>>
    %dma_start3A_264 = tpu.memref_slice %arg5[%add3A_262] : memref<1048576xf32, #tpu.memory_space<hbm>> -> memref<4096xf32, #tpu.memory_space<hbm>>
    tpu.enqueue_dma source(%arg15 : memref<4096xf32, #tpu.memory_space<vmem>>) target(%dma_start3A_264 : memref<4096xf32, #tpu.memory_space<hbm>>) target_semaphore(%arg22 : memref<!tpu.dma_semaphore, #tpu.memory_space<semaphore_mem>>)
    %dma_wait3A_265 = arith.constant 0 : i32
    %dma_wait3A_266 = tpu.memref_slice %arg4[%dma_wait3A_265] : memref<1048576xf32, #tpu.memory_space<hbm>> -> memref<1048576xf32, #tpu.memory_space<hbm>>
    tpu.wait_indirect_dma semaphore(%arg20 : memref<!tpu.dma_semaphore, #tpu.memory_space<semaphore_mem>>) src(%dma_wait3A_266 : memref<1048576xf32, #tpu.memory_space<hbm>>) dst(%arg16 : memref<4096xf32, #tpu.memory_space<vmem>>)
    %mul3A_267 = arith.constant 32768 : i32
    %mul3A_268 = arith.muli %add3A, %mul3A_267 : i32
    %add3A_269 = arith.constant 28672 : i32
    %add3A_270 = arith.addi %mul3A_268, %add3A_269 : i32
    %dma_start3A_271 = tpu.memref_slice %arg5[%add3A_270] : memref<1048576xf32, #tpu.memory_space<hbm>> -> memref<4096xf32, #tpu.memory_space<hbm>>
    %dma_start3A_272 = tpu.memref_slice %arg5[%add3A_270] : memref<1048576xf32, #tpu.memory_space<hbm>> -> memref<4096xf32, #tpu.memory_space<hbm>>
    tpu.enqueue_dma source(%arg16 : memref<4096xf32, #tpu.memory_space<vmem>>) target(%dma_start3A_272 : memref<4096xf32, #tpu.memory_space<hbm>>) target_semaphore(%arg22 : memref<!tpu.dma_semaphore, #tpu.memory_space<semaphore_mem>>)
    %dma_wait3A_273 = tpu.memref_slice %arg5[%add3A_262] : memref<1048576xf32, #tpu.memory_space<hbm>> -> memref<4096xf32, #tpu.memory_space<hbm>>
    %dma_wait3A_274 = tpu.memref_slice %arg5[%add3A_262] : memref<1048576xf32, #tpu.memory_space<hbm>> -> memref<4096xf32, #tpu.memory_space<hbm>>
    tpu.wait_dma2 semaphore(%arg22 : memref<!tpu.dma_semaphore, #tpu.memory_space<semaphore_mem>>) src(%arg15 : memref<4096xf32, #tpu.memory_space<vmem>>) dst(%dma_wait3A_274 : memref<4096xf32, #tpu.memory_space<hbm>>)
    %dma_wait3A_275 = tpu.memref_slice %arg5[%add3A_270] : memref<1048576xf32, #tpu.memory_space<hbm>> -> memref<4096xf32, #tpu.memory_space<hbm>>
    %dma_wait3A_276 = tpu.memref_slice %arg5[%add3A_270] : memref<1048576xf32, #tpu.memory_space<hbm>> -> memref<4096xf32, #tpu.memory_space<hbm>>
    tpu.wait_dma2 semaphore(%arg22 : memref<!tpu.dma_semaphore, #tpu.memory_space<semaphore_mem>>) src(%arg16 : memref<4096xf32, #tpu.memory_space<vmem>>) dst(%dma_wait3A_276 : memref<4096xf32, #tpu.memory_space<hbm>>)
    %dma_wait3A_277 = arith.constant 0 : i32
    %dma_wait3A_278 = tpu.memref_slice %arg18[%dma_wait3A_277] : memref<1048576xf32, #tpu.memory_space<vmem_shared>> -> memref<1048576xf32, #tpu.memory_space<vmem_shared>>
    tpu.wait_indirect_dma semaphore(%arg21 : memref<!tpu.dma_semaphore, #tpu.memory_space<semaphore_mem>>) src(%arg17 : memref<4096xf32, #tpu.memory_space<vmem>>) dst(%dma_wait3A_278 : memref<1048576xf32, #tpu.memory_space<vmem_shared>>)
    %dma_wait3A_279 = arith.constant 0 : i32
    %dma_wait3A_280 = tpu.memref_slice %arg18[%dma_wait3A_279] : memref<1048576xf32, #tpu.memory_space<vmem_shared>> -> memref<1048576xf32, #tpu.memory_space<vmem_shared>>
    tpu.wait_indirect_dma semaphore(%arg21 : memref<!tpu.dma_semaphore, #tpu.memory_space<semaphore_mem>>) src(%arg17 : memref<4096xf32, #tpu.memory_space<vmem>>) dst(%dma_wait3A_280 : memref<1048576xf32, #tpu.memory_space<vmem_shared>>)
    %dma_wait3A_281 = arith.constant 0 : i32
    %dma_wait3A_282 = tpu.memref_slice %arg18[%dma_wait3A_281] : memref<1048576xf32, #tpu.memory_space<vmem_shared>> -> memref<1048576xf32, #tpu.memory_space<vmem_shared>>
    tpu.wait_indirect_dma semaphore(%arg21 : memref<!tpu.dma_semaphore, #tpu.memory_space<semaphore_mem>>) src(%arg17 : memref<4096xf32, #tpu.memory_space<vmem>>) dst(%dma_wait3A_282 : memref<1048576xf32, #tpu.memory_space<vmem_shared>>)
    %barrier3A_283 = arith.constant 0 : index
    tpu.barrier barrier_id(%barrier3A_283)
    %eq3A_284 = arith.constant 0 : i32
    %eq3A_285 = arith.cmpi eq, %arg0, %eq3A_284 : i32
    %convert_element_type3A_286 = arith.extui %eq3A_285 : i1 to i32
    %cond3A_287 = arith.constant 0 : i32
    %cond3A_288 = arith.cmpi ne, %convert_element_type3A_286, %cond3A_287 : i32
    scf.if %cond3A_288 {
      %mul3A_294 = arith.constant 65536 : i32
      %mul3A_295 = arith.muli %arg1, %mul3A_294 : i32
      %mul3A_296 = arith.constant 65536 : i32
      %mul3A_297 = arith.muli %arg1, %mul3A_296 : i32
      "tpu.region"() ({
        %run_scoped3A = tpu.sem_alloc : memref<!tpu.dma_semaphore, #tpu.memory_space<semaphore_mem>>
        %dma_start3A_298 = tpu.memref_slice %arg6[%mul3A_297] : memref<1048576xf32, #tpu.memory_space<hbm>> -> memref<65536xf32, #tpu.memory_space<hbm>>
        %dma_start3A_299 = tpu.memref_slice %arg18[%mul3A_295] : memref<1048576xf32, #tpu.memory_space<vmem_shared>> -> memref<65536xf32, #tpu.memory_space<vmem_shared>>
        tpu.enqueue_dma source(%dma_start3A_299 : memref<65536xf32, #tpu.memory_space<vmem_shared>>) target(%dma_start3A_298 : memref<65536xf32, #tpu.memory_space<hbm>>) target_semaphore(%run_scoped3A : memref<!tpu.dma_semaphore, #tpu.memory_space<semaphore_mem>>)
        %dma_wait3A_300 = tpu.memref_slice %arg6[%mul3A_297] : memref<1048576xf32, #tpu.memory_space<hbm>> -> memref<65536xf32, #tpu.memory_space<hbm>>
        %dma_wait3A_301 = tpu.memref_slice %arg18[%mul3A_295] : memref<1048576xf32, #tpu.memory_space<vmem_shared>> -> memref<65536xf32, #tpu.memory_space<vmem_shared>>
        tpu.wait_dma2 semaphore(%run_scoped3A : memref<!tpu.dma_semaphore, #tpu.memory_space<semaphore_mem>>) src(%dma_wait3A_301 : memref<65536xf32, #tpu.memory_space<vmem_shared>>) dst(%dma_wait3A_300 : memref<65536xf32, #tpu.memory_space<hbm>>)
        tpu.yield
      }) : () -> ()
    } else {
    }
    %eq3A_289 = arith.constant 1 : i32
    %eq3A_290 = arith.cmpi eq, %arg0, %eq3A_289 : i32
    %convert_element_type3A_291 = arith.extui %eq3A_290 : i1 to i32
    %cond3A_292 = arith.constant 0 : i32
    %cond3A_293 = arith.cmpi ne, %convert_element_type3A_291, %cond3A_292 : i32
    scf.if %cond3A_293 {
      %mul3A_294 = arith.constant 65536 : i32
      %mul3A_295 = arith.muli %arg1, %mul3A_294 : i32
      %mul3A_296 = arith.constant 65536 : i32
      %mul3A_297 = arith.muli %arg1, %mul3A_296 : i32
      "tpu.region"() ({
        %run_scoped3A = tpu.sem_alloc : memref<!tpu.dma_semaphore, #tpu.memory_space<semaphore_mem>>
        %dma_start3A_298 = tpu.memref_slice %arg7[%mul3A_297] : memref<1048576xf32, #tpu.memory_space<hbm>> -> memref<65536xf32, #tpu.memory_space<hbm>>
        %dma_start3A_299 = tpu.memref_slice %arg18[%mul3A_295] : memref<1048576xf32, #tpu.memory_space<vmem_shared>> -> memref<65536xf32, #tpu.memory_space<vmem_shared>>
        tpu.enqueue_dma source(%dma_start3A_299 : memref<65536xf32, #tpu.memory_space<vmem_shared>>) target(%dma_start3A_298 : memref<65536xf32, #tpu.memory_space<hbm>>) target_semaphore(%run_scoped3A : memref<!tpu.dma_semaphore, #tpu.memory_space<semaphore_mem>>)
        %dma_wait3A_300 = tpu.memref_slice %arg7[%mul3A_297] : memref<1048576xf32, #tpu.memory_space<hbm>> -> memref<65536xf32, #tpu.memory_space<hbm>>
        %dma_wait3A_301 = tpu.memref_slice %arg18[%mul3A_295] : memref<1048576xf32, #tpu.memory_space<vmem_shared>> -> memref<65536xf32, #tpu.memory_space<vmem_shared>>
        tpu.wait_dma2 semaphore(%run_scoped3A : memref<!tpu.dma_semaphore, #tpu.memory_space<semaphore_mem>>) src(%dma_wait3A_301 : memref<65536xf32, #tpu.memory_space<vmem_shared>>) dst(%dma_wait3A_300 : memref<65536xf32, #tpu.memory_space<hbm>>)
        tpu.yield
      }) : () -> ()
    } else {
    }
    return
  }
}

module attributes {stable_mosaic.version = 14 : i64} {
  func.func @_combine_body(%arg0: i32, %arg1: memref<1xi32, #tpu.memory_space<smem>>, %arg2: memref<262144xf32, #tpu.memory_space<vmem>>, %arg3: memref<262144xf32, #tpu.memory_space<vmem>>, %arg4: memref<262144xf32, #tpu.memory_space<vmem>>, %arg5: memref<256x1024xf32, #tpu.memory_space<vmem>>, %arg6: memref<262144xf32, #tpu.memory_space<vmem>>) attributes {dimension_semantics = [#tpu.dimension_semantics<arbitrary>], iteration_bounds = array<i64: 4>, scalar_prefetch = 0 : i64, scratch_operands = 0 : i64, tpu.core_type = #tpu.core_type<tc>, window_params = [{transform_indices = @transform_0, window_bounds = array<i64: 1>}, {transform_indices = @transform_1, window_bounds = array<i64: 262144>}, {transform_indices = @transform_2, window_bounds = array<i64: 262144>}, {transform_indices = @transform_3, window_bounds = array<i64: 262144>}, {transform_indices = @transform_4, window_bounds = array<i64: 256, 1024>}, {transform_indices = @transform_5, window_bounds = array<i64: 262144>}]} {
    %get3A = arith.constant 0 : index
    %get3A_0 = memref.load %arg1[%get3A] : memref<1xi32, #tpu.memory_space<smem>>
    %convert_element_type3A = arith.sitofp %get3A_0 : i32 to f32
    %add3A = arith.constant 0x49800000 : f32
    %add3A_1 = arith.addf %convert_element_type3A, %add3A : f32
    %log3A = math.log %add3A_1 : f32
    %mul3A = arith.constant 2.000000e+00 : f32
    %mul3A_2 = arith.mulf %mul3A, %log3A : f32
    %get3A_3 = arith.constant 0 : index
    %get3A_4 = vector.load %arg2[%get3A_3] : memref<262144xf32, #tpu.memory_space<vmem>>, vector<262144xf32>
    %get3A_5 = arith.constant 0 : index
    %get3A_6 = vector.load %arg3[%get3A_5] : memref<262144xf32, #tpu.memory_space<vmem>>, vector<262144xf32>
    %add3A_7 = arith.addf %get3A_4, %get3A_6 : vector<262144xf32>
    %reshape3A = vector.shape_cast %add3A_7 : vector<262144xf32> to vector<256x1024xf32>
    %swap3A = arith.constant 0 : index
    %swap3A_8 = arith.constant 0 : index
    %swap3A_9 = vector.load %arg5[%swap3A, %swap3A_8] : memref<256x1024xf32, #tpu.memory_space<vmem>>, vector<256x1024xf32>
    tpu.vector_store %arg5[%swap3A, %swap3A_8], %reshape3A {strides = array<i32>} : memref<256x1024xf32, #tpu.memory_space<vmem>>, vector<256x1024xf32>,
    %get3A_10 = arith.constant 0 : index
    %get3A_11 = vector.load %arg4[%get3A_10] : memref<262144xf32, #tpu.memory_space<vmem>>, vector<262144xf32>
    %add3A_12 = arith.constant 1.000000e+00 : f32
    %add3A_13 = vector.broadcast %add3A_12 : f32 to vector<262144xf32>
    %add3A_14 = arith.addf %get3A_11, %add3A_13 : vector<262144xf32>
    %div3A = vector.broadcast %mul3A_2 : f32 to vector<262144xf32>
    %div3A_15 = arith.divf %div3A, %add3A_14 : vector<262144xf32>
    %sqrt3A = math.sqrt %div3A_15 : vector<262144xf32>
    %swap3A_16 = arith.constant 0 : index
    %swap3A_17 = vector.load %arg6[%swap3A_16] : memref<262144xf32, #tpu.memory_space<vmem>>, vector<262144xf32>
    tpu.vector_store %arg6[%swap3A_16], %sqrt3A {strides = array<i32>} : memref<262144xf32, #tpu.memory_space<vmem>>, vector<262144xf32>,
    return
  }
  func.func @transform_0(%arg0: i32) -> i32 {
    %c0_i32 = arith.constant 0 : i32
    %c0_i32_0 = arith.constant 0 : i32
    return %c0_i32 : i32
  }
  func.func @transform_1(%arg0: i32) -> i32 {
    %c0_i32 = arith.constant 0 : i32
    return %arg0 : i32
  }
  func.func @transform_2(%arg0: i32) -> i32 {
    %c0_i32 = arith.constant 0 : i32
    return %arg0 : i32
  }
  func.func @transform_3(%arg0: i32) -> i32 {
    %c0_i32 = arith.constant 0 : i32
    return %arg0 : i32
  }
  func.func @transform_4(%arg0: i32) -> (i32, i32) {
    %c0_i32 = arith.constant 0 : i32
    %c0_i32_0 = arith.constant 0 : i32
    return %arg0, %c0_i32 : i32, i32
  }
  func.func @transform_5(%arg0: i32) -> i32 {
    %c0_i32 = arith.constant 0 : i32
    return %arg0 : i32
  }
}

</mosaic_0001>

<sc_bundles>
// kernel: kernel.4.cloned.1.call-start
scs
__scs_entry_jumppad:
0x0: {  	(pc) =	sbr.rel $0x88, $3  }
0x1: {  	(tag) =	ssettag $0x0;
	lr =	simm.s32 $0x1  }
0x2: {  	[smem:$0x3F9E] =	sst lr;
	_ =	strace $0xD0000000  }
0x3: {  	_ = 	snop  }
0x4: {  	_ = 	snop  }
0x5: {  	_ = 	snop  }
0x6: {  	_ = 	snop  }
0x7: {  	_ = 	snop  }
__scs_overlays_trampoline_lowered:
0x8: {  	[smem:$0x3FAD] =	sst s0  }
0x9: {  	[smem:$0x3FAE] =	sst s1  }
0xa: {  	[smem:$0x3FAF] =	sst s2  }
0xb: {  	[smem:$0x3FB0] =	sst s3  }
0xc: {  	[smem:$0x3FB1] =	sst s4  }
0xd: {  	[smem:$0x3FB2] =	sst s5  }
0xe: {  	[smem:$0x3FB3] =	sst s6  }
0xf: {  	[smem:$0x3FB4] =	sst s7  }
0x10: {  	[smem:$0x3FB5] =	sst s8  }
0x11: {  	[smem:$0x3FB6] =	sst s9;
	s0 =	simm.s32 @!p0 $0x0  }
0x12: {  	s1 =	sld [smem:$0x3F9C];
	s0 =	simm.s32 @p0 $0x1  }
0x13: {  	[smem:$0x3FB7] =	sst s0;
	s0 =	simm.s32 @!p1 $0x0  }
0x14: {  	s2 =	sld [smem:$0x3F9B];
	s0 =	simm.s32 @p1 $0x1  }
0x15: {  	[smem:$0x3FB8] =	sst s0;
	s0 =	simm.s32 @!p2 $0x0  }
0x16: {  	s3 =	sld [smem:$0x3FDB];
	s0 =	simm.s32 @p2 $0x1  }
0x17: {  	s4 =	simm.s32 $0x1BF5;
	[smem:$0x3FBA] =	sst s0  }
0x18: {  	s0 =	sld [smem:$0x3F9D];
	_ =	swait.ge [sflag:s4], $0x0  }
0x19: {  	s7 =	sld [smem:$0x3F9E]  }
0x1a: {  	s8 =	sadd.s32 $0xFFFFE003, lr  }
0x1b: {  	s9 =	sadd.s32 $0xFFFFFEF7, lr;
	s5 =	simm.s32 $0xFFFFFFFF;
	p2 =	slt.u32 s8, $0xFFFFF086  }
0x1c: {  	p1 =	slt.u32 s9, $0xF7A;
	s5 =	simm.s32 @!p2 $0x0  }
0x1d: {  	s5 =	simm.s32 @p1 $0x1;
	p0 =	seq.s32 s7, s2  }
0x1e: {  	s7 =	smul.u32 @!p0 $0xF7A, s2;
	p2 =	seq.s32 @!p0 s5, $0x0  }
0x1f: {  	s9 =	smul.u32 $0xF7A, s1;
	s8 =	simm.s32 @!p0 $0x1BF5;
	p2 =	por !p2, p0  }
0x20: {  	[sflag:s8] =	ssyncset.s32 @!p0 $0xFFFFF086;
	s6 =	sadd.s32 @!p0 s3, s7;
	s7 =	simm.s32 @!p0 $0x108  }
0x21: {  	s3 =	sadd.s32 s3, s9;
	s6 =	sadd.s32 @!p0 $0x88, s6;
	s7 =	simm.s32 @p2 $0x1082  }
0x22: {  	[simem:s7], [sflag:s8] =	dma.local @!p0 [hbm:s6], $0xF7A  }
0x23: {  	s9 =	sor.u32 $0xD0000000, s2;
	s6 =	simm.s32 $0x108;
	_ =	swait.ge @!p0 [sflag:s8], $0x0  }
0x24: {  	s3 =	sadd.s32 $0x88, s3;
	s6 =	simm.s32 @!p1 $0x1082;
	[sflag:s4] =	ssyncset.s32 $0xFFFFF086  }
0x25: {  	[simem:s6], [sflag:s4] =	dma.local [hbm:s3], $0xF7A  }
0x26: {  	[smem:$0x3F9E] =	sst s1;
	(tag) =	ssettag s2;
	_ =	strace s9  }
0x27: {  	s1 =	sld [smem:$0x3FAE]  }
0x28: {  	s2 =	sld [smem:$0x3FAF]  }
0x29: {  	s4 =	sld [smem:$0x3FB1]  }
0x2a: {  	p0 =	seq.s32 s5, $0x0;
	s5 =	sld [smem:$0x3FB2]  }
0x2b: {  	s6 =	sld [smem:$0x3FB3]  }
0x2c: {  	s7 =	sld [smem:$0x3FB4]  }
0x2d: {  	s3 =	simm.s32 $0x108;
	s8 =	sld [smem:$0x3FB5]  }
0x2e: {  	s3 =	simm.s32 @!p0 $0x1082;
	s9 =	sld [smem:$0x3FB6]  }
0x2f: {  	lr =	sadd.s32 s0, s3;
	s0 =	sld [smem:$0x3FAD]  }
0x30: {  	s3 =	sld [smem:$0x3FB0]  }
0x31: {  	[smem:$0x3FB9] =	sst s10  }
0x32: {  	s10 =	sld [smem:$0x3FB7];
	_ =	sdelay $0x3  }
0x33: {  	p0 =	seq.s32 s10, $0x1;
	s10 =	sld [smem:$0x3FB9];
	_ =	sdelay $0x3  }
0x34: {  	[smem:$0x3FB9] =	sst s10  }
0x35: {  	s10 =	sld [smem:$0x3FB8];
	_ =	sdelay $0x3  }
0x36: {  	p1 =	seq.s32 s10, $0x1;
	s10 =	sld [smem:$0x3FB9];
	_ =	sdelay $0x3  }
0x37: {  	[smem:$0x3FB9] =	sst s10  }
0x38: {  	s10 =	sld [smem:$0x3FBA]  }
0x39: {  	_ = 	snop;
	(pc) =	sbr.ind lr, $3  }
0x3a: {  	_ = 	snop  }
0x3b: {  	_ = 	snop  }
0x3c: {  	p2 =	seq.s32 s10, $0x1;
	s10 =	sld [smem:$0x3FB9]  }
0x3d: {  	_ =	shalt  }
0x3e: {  	_ =	shalt  }
0x3f: {  	_ =	shalt  }
0x40: {  	_ =	shalt  }
0x41: {  	_ =	shalt  }
0x42: {  	_ =	shalt  }
0x43: {  	_ =	shalt  }
0x44: {  	_ =	shalt  }
0x45: {  	_ =	shalt  }
0x46: {  	_ =	shalt  }
0x47: {  	_ =	shalt  }
0x48: {  	_ =	shalt  }
0x49: {  	_ =	shalt  }
0x4a: {  	_ =	shalt  }
0x4b: {  	_ =	shalt  }
0x4c: {  	_ =	shalt  }
0x4d: {  	_ =	shalt  }
0x4e: {  	_ =	shalt  }
0x4f: {  	_ =	shalt  }
0x50: {  	_ =	shalt  }
0x51: {  	_ =	shalt  }
0x52: {  	_ =	shalt  }
0x53: {  	_ =	shalt  }
0x54: {  	_ =	shalt  }
0x55: {  	_ =	shalt  }
0x56: {  	_ =	shalt  }
0x57: {  	_ =	shalt  }
0x58: {  	_ =	shalt  }
0x59: {  	_ =	shalt  }
0x5a: {  	_ =	shalt  }
0x5b: {  	_ =	shalt  }
0x5c: {  	_ =	shalt  }
0x5d: {  	_ =	shalt  }
0x5e: {  	_ =	shalt  }
0x5f: {  	_ =	shalt  }
0x60: {  	_ =	shalt  }
0x61: {  	_ =	shalt  }
0x62: {  	_ =	shalt  }
0x63: {  	_ =	shalt  }
0x64: {  	_ =	shalt  }
0x65: {  	_ =	shalt  }
0x66: {  	_ =	shalt  }
0x67: {  	_ =	shalt  }
0x68: {  	_ =	shalt  }
0x69: {  	_ =	shalt  }
0x6a: {  	_ =	shalt  }
0x6b: {  	_ =	shalt  }
0x6c: {  	_ =	shalt  }
0x6d: {  	_ =	shalt  }
0x6e: {  	_ =	shalt  }
0x6f: {  	_ =	shalt  }
0x70: {  	_ =	shalt  }
0x71: {  	_ =	shalt  }
0x72: {  	_ =	shalt  }
0x73: {  	_ =	shalt  }
0x74: {  	_ =	shalt  }
0x75: {  	_ =	shalt  }
0x76: {  	_ =	shalt  }
0x77: {  	_ =	shalt  }
0x78: {  	_ =	shalt  }
0x79: {  	_ =	shalt  }
0x7a: {  	_ =	shalt  }
0x7b: {  	_ =	shalt  }
0x7c: {  	_ =	shalt  }
0x7d: {  	_ =	shalt  }
0x7e: {  	_ =	shalt  }
0x7f: {  	_ =	shalt  }
0x80: {  	_ =	shalt  }
0x81: {  	_ =	shalt  }
0x82: {  	_ =	shalt  }
0x83: {  	_ =	shalt  }
0x84: {  	_ =	shalt  }
0x85: {  	_ =	shalt  }
0x86: {  	_ =	shalt  }
0x87: {  	_ =	shalt  }
.Lfunc_end0:
.L_simem_size_0:
called_computation_lowered:
.L_overlay_start_0:
0x88: {  	s2 =	sld [smem:$0x3FD9]  }
0x89: {  	s3 =	sld [smem:$0x3FFE];
	_ =	sdelay $0x1  }
0x8a: {  	s1 =	srdreg.scid  }
0x8b: {  	s0 =	sand.u32 $0x1, s1  }
0x8c: {  	s14 =	sshll.u32 s0, $0xA;
	s2 =	sadd.s32 s3, s2  }
0x8d: {  	s2 =	sadd.s32 s2, s14  }
0x8e: {  	[smem:$0x3FC5] =	sst s2  }
0x8f: {  	_ = 	snop  }
0x90: {  	s2 =	sld [smem:$0x3FD0];
	_ =	sdelay $0x2  }
0x91: {  	s15 =	simm.s32 $0xA;
	s4 =	simm.s32 $0x10  }
0x92: {  	[smem:s4], [sflag:s15] =	dma.local [hbm:s2], $0x1  }
0x93: {  	_ =	swait.eq [sflag:s15], $0x1  }
0x94: {  	[sflag:s15] =	ssyncset.done $0x0  }
0x95: {  	s16 =	sld [smem:$0x10];
	[sflag:s15] =	ssyncadd.s32 $0xFFFFFFFF  }
0x96: {  	s17 =	sld [smem:$0x11];
	(tm) =	ssettm $0x1  }
0x97: {  	s18 =	sld [smem:$0x3FFB];
	_ =	sdelay $0x3  }
0x98: {  	_ =	strace s18  }
0x99: {  	s4 =	sld [smem:$0x3FFC];
	_ =	sdelay $0x3  }
0x9a: {  	_ =	strace s4  }
0x9b: {  	s4 =	sld [smem:$0x3FFD];
	_ =	sdelay $0x3  }
0x9c: {  	_ =	strace s4  }
0x9d: {  	_ =	strace $0x8FFFFFFF  }
0x9e: {  	s19 =	sld [smem:$0x3FDB];
	_ =	sdelay $0x1  }
0x9f: {  	s5 =	simm.s32 $_scs_section_size  }
0xa0: {  	s6 =	simm.s32 $_size__tile_overlayer_lowered;
	s7 =	simm.s32 $_tile_overlayer_lowered  }
0xa1: {  	s22 =	simm.s32 $0x1BFF;
	s21 =	sshll.u32 s7, $0x1;
	s4 =	sadd.s32 s5, s19  }
0xa2: {  	s8 =	simm.s32 $0x0;
	s20 =	sshll.u32 s6, $0x1;
	s6 =	sadd.s32 s21, s4  }
0xa3: {  	[timem:s8], [sflag:s22] =	dma.local [hbm:s6], s20  }
0xa4: {  	_ =	swait.ge [sflag:s22], s20  }
0xa5: {  	s5 =	ssub.s32 $0x0, s20;
	[sflag:s22] =	ssyncset.done $0x0  }
0xa6: {  	[sflag:s22] =	ssyncadd.s32 s5;
	_ =	sdelay $0x1  }
0xa7: {  	s23 =	simm.s32 $0x1B8B  }
0xa8: {  	_ =	swait.ge [sflag:s23], $0x1  }
0xa9: {  	[sflag:s23] =	ssyncset.done $0x0  }
0xaa: {  	s25 =	simm.s32 $0x1B8E;
	s24 =	sld [smem:$0x3FFE];
	[sflag:s23] =	ssyncadd.s32 $0xFFFFFFFF  }
0xab: {  	s26 =	simm.s32 $execute0_lowered;
	[smem:$0x3FD2] =	sst s25  }
0xac: {  	s6 =	sshll.u32 s26, $0x1;
	_ =	strace $0x80000046;
	[dreg:$0x1] =	wrdreg $0xFFFFFFFF  }
0xad: {  	s28 =	simm.s32 $_size_execute0_lowered;
	s4 =	sadd.s32 s4, s6;
	[dreg:$0x0] =	wrdreg $0x0  }
0xae: {  	s6 =	sshll.u32 s28, $0x1;
	[dreg:$0x2] =	wrdreg s4  }
0xaf: {  	[dreg:$0x3] =	wrdreg s6  }
0xb0: {  	[dreg:$0x4] =	wrdreg $0xC0  }
0xb1: {  	_ =	task [dreg:s8], $0x5FFFF  }
0xb2: {  	[dreg:$0x1] =	wrdreg $0xFFFFFFFF  }
0xb3: {  	[dreg:$0x0] =	wrdreg $0x60  }
0xb4: {  	[dreg:$0x2] =	wrdreg s17  }
0xb5: {  	[dreg:$0x3] =	wrdreg s16  }
0xb6: {  	[dreg:$0x4] =	wrdreg s24  }
0xb7: {  	[dreg:$0x5] =	wrdreg $0xA0000  }
0xb8: {  	[dreg:$0x6] =	wrdreg $0x9  }
0xb9: {  	_ =	task.clear_ibuf [dreg:s8], $0x7FFFF;
	_ =	strace $0x90000046  }
0xba: {  	s29 =	simm.s32 $0x9;
	_ =	strace $0x80000048  }
0xbb: {  	_ =	swait.ge [sflag:s29], $0x1  }
0xbc: {  	[sflag:s29] =	ssyncadd.s32 $0xFFFFFFFF  }
0xbd: {  	_ =	strace $0x90000048  }
0xbe: {  	_ =	sfence  }
0xbf: {  	s30 =	sld [smem:$0x0];
	_ =	sdelay $0x2  }
0xc0: {  	s31 =	sshll.u32 s1, $0xD;
	s1 =	sshrl.u32 s1, $0x2  }
0xc1: {  	s3 =	sand.u32 $0x4000, s31;
	s1 =	sadd.s32 s1, s30  }
0xc2: {  	s0 =	sor.u32 s3, s0;
	s1 =	sshll.u32 s1, $0x11  }
0xc3: {  	s0 =	sor.u32 s1, s0  }
0xc4: {  	s0 =	sadd.s32 $0x8F2B, s0  }
0xc5: {  	[sflag:s0] =	ssyncadd.remote.s32 $0x1  }
0xc6: {  	_ =	sfence.sel $0xFFFF  }
0xc7: {  	[dreg:$0x0] =	wrdreg $0xFFFFFFFF;
	(pc) =	sbr.abs _section_cstart, $3  }
0xc8: {  	[dreg:$0x1] =	wrdreg $0xFFFFFFFF  }
0xc9: {  	_ =	task.clear_ibuf [dreg:s8], $0x2FFFF;
	_ =	strace $0x9FFFFFFF  }
0xca: {  	(tm) =	ssettm $0x7FFFFFFF  }
0xcb: {  	_ =	shalt  }
tec
execute0_lowered:
.L_overlay_start_1:
0x0: {  	(tag) =	ssettag $0x1  }
0x1: {  	s0 =	rddreg [dreg:$0x0];
	s2 =	srdreg.scid  }
0x2: {  	s1 =	rddreg [dreg:$0x1];
	s12 =	stileid.u32;
	s2 =	sand.u32 $0x1, s2  }
0x3: {  	s3 =	rddreg [dreg:$0x2];
	s6 =	sshll.u32 s12, $0xD;
	s7 =	sshll.u32 s2, $0xC  }
0x4: {  	s4 =	simm.s32 $0x0;
	s28 =	rddreg [dreg:$0x3];
	s22 =	sor.u32 s7, s6  }
0x5: {  	[smem:$0x7FF] =	sst s4;
	s7 =	sadd.s32 s0, s22  }
0x6: {  	s8 =	sadd.s32 $0x21400, s3;
	s23 =	sadd.s32 s1, s22;
	[dreg:$0x5] =	wrdreg s7  }
0x7: {  	s24 =	sor.u32 $0x200, s22;
	s13 =	sadd.s32 s8, s22;
	[dreg:$0x6] =	wrdreg s23  }
0x8: {  	s21 =	ssub.s32 $0x2, s2;
	s9 =	sadd.s32 s0, s24;
	[dreg:$0xd] =	wrdreg s13  }
0x9: {  	s26 =	sor.u32 $0x400, s22;
	s25 =	sadd.s32 s1, s24;
	[dreg:$0x7] =	wrdreg s9  }
0xa: {  	s5 =	sshrl.u32 s21, $0x1;
	s10 =	sadd.s32 s0, s26;
	[dreg:$0x8] =	wrdreg s25  }
0xb: {  	s15 =	sor.u32 $0x600, s22;
	s14 =	sadd.s32 s1, s26;
	[dreg:$0x9] =	wrdreg s10  }
0xc: {  	s4 =	ssub.s32 s21, s5;
	s11 =	sadd.s32 s0, s15;
	[dreg:$0xa] =	wrdreg s14  }
0xd: {  	s17 =	sor.u32 $0x800, s22;
	s16 =	sadd.s32 s1, s15;
	[dreg:$0xb] =	wrdreg s11  }
0xe: {  	s19 =	sor.u32 $0xA00, s22;
	s18 =	sadd.s32 s0, s17;
	[dreg:$0xc] =	wrdreg s16  }
0xf: {  	s20 =	sor.u32 $0xC00, s22;
	s7 =	sadd.s32 s8, s24;
	[dreg:$0xe] =	wrdreg s18  }
0x10: {  	s5 =	sor.u32 $0xE00, s22;
	s22 =	sadd.s32 s0, s19;
	[dreg:$0xf] =	wrdreg s7  }
0x11: {  	s23 =	sadd.s32 s0, s20;
	[dreg:$0x12] =	wrdreg s22  }
0x12: {  	s29 =	sadd.s32 $0x1400, s3;
	s0 =	sadd.s32 s0, s5;
	[dreg:$0x13] =	wrdreg s23  }
0x13: {  	s24 =	sadd.s32 s1, s17;
	s21 =	sadd.s32 s1, s5;
	[dreg:$0x14] =	wrdreg s0  }
0x14: {  	s9 =	sadd.s32 s8, s26;
	s10 =	sadd.s32 s8, s15;
	[dreg:$0x15] =	wrdreg s24  }
0x15: {  	s25 =	sadd.s32 s1, s19;
	s26 =	sadd.s32 s1, s20;
	[dreg:$0x10] =	wrdreg s9  }
0x16: {  	s22 =	sadd.s32 s8, s17;
	s24 =	sadd.s32 s8, s19;
	[dreg:$0x11] =	wrdreg s10  }
0x17: {  	[dreg:$0x17] =	wrdreg s26;
	s26 =	sadd.s32 s8, s5;
	s5 =	sshll.u32 s12, $0x10  }
0x18: {  	s7 =	sadd.s32 s29, s6;
	[dreg:$0x16] =	wrdreg s25;
	s30 =	sadd.s32 s5, s28  }
0x19: {  	_ =	strace $0x80000047;
	[dreg:$0x18] =	wrdreg s7;
	s1 =	sadd.s32 $0x1000, s30  }
0x1a: {  	s25 =	sadd.s32 s8, s20;
	s8 =	sadd.s32 $0x2000, s30;
	[dreg:$0x19] =	wrdreg s1  }
0x1b: {  	s9 =	sadd.s32 $0x3000, s30;
	[dreg:$0x1a] =	wrdreg s8  }
0x1c: {  	s10 =	sadd.s32 $0x4000, s30;
	[dreg:$0x1b] =	wrdreg s9  }
0x1d: {  	p1 =	seq.s32 s2, $0x0;
	s11 =	sadd.s32 $0x5000, s30;
	[dreg:$0x1c] =	wrdreg s10  }
0x1e: {  	p0 =	sne.s32 s2, $0x0;
	s12 =	sadd.s32 $0x6000, s30;
	[dreg:$0x1d] =	wrdreg s11  }
0x1f: {  	s2 =	simm.s32 $0x1000;
	s13 =	sadd.s32 $0x7000, s30;
	[dreg:$0x1e] =	wrdreg s12  }
0x20: {  	s0 =	simm.s32 $0x41400;
	s14 =	sadd.s32 $0x8000, s30;
	[dreg:$0x1f] =	wrdreg s13  }
0x21: {  	s0 =	simm.s32 @!p1 $0x61400;
	s15 =	sadd.s32 $0x9000, s30;
	[smem:$0x7F6] =	sst s14  }
0x22: {  	s0 =	sadd.s32 s0, s3;
	s16 =	sadd.s32 $0xA000, s30;
	[smem:$0x7F7] =	sst s15  }
0x23: {  	s3 =	simm.s32 $0x3000;
	s17 =	sadd.s32 $0xB000, s30;
	[smem:$0x7F8] =	sst s16  }
0x24: {  	s5 =	simm.s32 $0x4000;
	s18 =	sadd.s32 $0xC000, s30;
	[smem:$0x7F9] =	sst s17  }
0x25: {  	s7 =	simm.s32 $0x9000;
	s19 =	sadd.s32 $0xD000, s30;
	[smem:$0x7FA] =	sst s18  }
0x26: {  	s31 =	sadd.s32 s0, s6;
	s20 =	sadd.s32 $0xE000, s30;
	[smem:$0x7FB] =	sst s19  }
0x27: {  	s0 =	smax.u32 s4, $0x1;
	s23 =	sadd.s32 $0xF000, s30;
	[smem:$0x7FC] =	sst s20  }
0x28: {  	s4 =	simm.s32 $0x1;
	s6 =	simm.s32 $0x7000;
	[smem:$0x7FD] =	sst s23  }
0x29: {  	s23 =	simm.s32 $0x4;
	s1 =	simm.s32 $0x2000;
	s8 =	simm.s32 $0x5000  }
0x2a: {  	s9 =	simm.s32 $0x8000;
	s10 =	simm.s32 $0x2;
	s11 =	simm.s32 $0x6000  }
0x2b: {  	v0 =	vimm.f32 $1.000000000e+00;
	v1 =	vimm.f32 $0.0e+00;
	s12 =	simm.s32 $0x3;
	s13 =	simm.s32 $0x5;
	s14 =	simm.s32 $0x0  }
.LBB2_1:
0x2c: {  	s15 =	simm.s32 $0x40;
	s16 =	simm.s32 $0x0  }
.LBB2_2:
0x2d: {  	p1 =	sne.s32 s15, $0x3FC0;
	[tilespmem:s16+$0x9000] =	vst v0;
	s17 =	smov.u32 s15;
	s15 =	sadd.s32 $0x40, s15  }
.Ltmp0:
0x2e: {  	[tilespmem:s16+$0x7000] =	vst v1;
	(pc) =	sbr.rel @p1 .LBB2_2-.Ltmp0, $2  }
0x2f: {  	_ =	sdelay $0x2  }
0x30: {  	s16 =	sshra.s32 s17, $0x2  }
.Ltmp1:
0x31: {  	(pc) =	sbr.rel @p0 .LBB2_5-.Ltmp1, $3  }
0x32: {  	_ =	sdelay $0x1  }
0x33: {  	[tilespmem:s16+$0x9000] =	vst v0;
	s15 =	stileid.u32  }
0x34: {  	[tilespmem:s16+$0x7000] =	vst v1;
	s16 =	sshrl.u32 s30, $0x3;
	s15 =	sshll.u32 s15, $0x6  }
.Ltmp2:
0x35: {  	s17 =	sor.u32 $0x1C04, s15;
	s18 =	rddreg [dreg:$0x18];
	(pc) =	sbr.rel .LBB2_6-.Ltmp2, $4  }
0x36: {  	[spmem:s16], [sflag:s17] =	dma.local [hbm:s18], $0x2000  }
0x37: {  	_ =	swait.ge [sflag:s23], $0x2000  }
0x38: {  	[sflag:s23] =	ssyncset.done $0x0  }
0x39: {  	[sflag:s23] =	ssyncadd.s32 $0xFFFFE000  }
.LBB2_5:
0x3a: {  	[spmem:s30] =	stream.linear.scatter [tilespmem:s6], [sflag:$0x4], $0x1000, $0x38;
	[tilespmem:$0x1A000] =	vst v63  }
0x3b: {  	s17 =	rddreg [dreg:$0x19]  }
0x3c: {  	s19 =	rddreg [dreg:$0x1a]  }
0x3d: {  	[spmem:s17] =	stream.linear.scatter [tilespmem:s6], [sflag:$0x4], $0x1000, $0x38;
	[tilespmem:$0x1A000] =	vst v63  }
0x3e: {  	s20 =	rddreg [dreg:$0x1b]  }
0x3f: {  	[spmem:s19] =	stream.linear.scatter [tilespmem:s6], [sflag:$0x4], $0x1000, $0x38;
	[tilespmem:$0x1A000] =	vst v63  }
0x40: {  	s18 =	rddreg [dreg:$0x1c]  }
0x41: {  	[spmem:s20] =	stream.linear.scatter [tilespmem:s6], [sflag:$0x4], $0x1000, $0x38;
	[tilespmem:$0x1A000] =	vst v63  }
0x42: {  	s19 =	rddreg [dreg:$0x1d]  }
0x43: {  	[spmem:s18] =	stream.linear.scatter [tilespmem:s6], [sflag:$0x4], $0x1000, $0x38;
	[tilespmem:$0x1A000] =	vst v63  }
0x44: {  	s20 =	rddreg [dreg:$0x1e]  }
0x45: {  	[spmem:s19] =	stream.linear.scatter [tilespmem:s6], [sflag:$0x4], $0x1000, $0x38;
	[tilespmem:$0x1A000] =	vst v63  }
0x46: {  	s18 =	rddreg [dreg:$0x1f]  }
0x47: {  	[spmem:s20] =	stream.linear.scatter [tilespmem:s6], [sflag:$0x4], $0x1000, $0x38;
	[tilespmem:$0x1A000] =	vst v63  }
0x48: {  	s19 =	sld [smem:$0x7F6]  }
0x49: {  	[spmem:s18] =	stream.linear.scatter [tilespmem:s6], [sflag:$0x4], $0x1000, $0x38;
	[tilespmem:$0x1A000] =	vst v63  }
0x4a: {  	s20 =	sld [smem:$0x7F7]  }
0x4b: {  	[spmem:s19] =	stream.linear.scatter [tilespmem:s6], [sflag:$0x4], $0x1000, $0x38;
	[tilespmem:$0x1A000] =	vst v63  }
0x4c: {  	s18 =	sld [smem:$0x7F8]  }
0x4d: {  	[spmem:s20] =	stream.linear.scatter [tilespmem:s6], [sflag:$0x4], $0x1000, $0x38;
	[tilespmem:$0x1A000] =	vst v63  }
0x4e: {  	s19 =	sld [smem:$0x7F9]  }
0x4f: {  	[spmem:s18] =	stream.linear.scatter [tilespmem:s6], [sflag:$0x4], $0x1000, $0x38;
	[tilespmem:$0x1A000] =	vst v63  }
0x50: {  	s20 =	sld [smem:$0x7FA]  }
0x51: {  	[spmem:s19] =	stream.linear.scatter [tilespmem:s6], [sflag:$0x4], $0x1000, $0x38;
	[tilespmem:$0x1A000] =	vst v63  }
0x52: {  	s18 =	sld [smem:$0x7FB]  }
0x53: {  	[spmem:s20] =	stream.linear.scatter [tilespmem:s6], [sflag:$0x4], $0x1000, $0x38;
	[tilespmem:$0x1A000] =	vst v63  }
0x54: {  	s19 =	sld [smem:$0x7FC]  }
0x55: {  	[spmem:s18] =	stream.linear.scatter [tilespmem:s6], [sflag:$0x4], $0x1000, $0x38;
	[tilespmem:$0x1A000] =	vst v63  }
0x56: {  	s20 =	sld [smem:$0x7FD]  }
0x57: {  	[spmem:s19] =	stream.linear.scatter [tilespmem:s6], [sflag:$0x4], $0x1000, $0x38;
	[tilespmem:$0x1A000] =	vst v63  }
0x58: {  	_ = 	snop  }
0x59: {  	[spmem:s20] =	stream.linear.scatter [tilespmem:s6], [sflag:$0x4], $0x1000, $0x38;
	[tilespmem:$0x1A000] =	vst v63  }
0x5a: {  	_ =	swait.ge [sflag:s23], $0x1000  }
0x5b: {  	[sflag:s23] =	ssyncset.done $0x0  }
0x5c: {  	[sflag:s23] =	ssyncadd.s32 $0xFFFFF000  }
0x5d: {  	_ =	swait.ge [sflag:s23], $0x1000  }
0x5e: {  	[sflag:s23] =	ssyncset.done $0x0  }
0x5f: {  	[sflag:s23] =	ssyncadd.s32 $0xFFFFF000  }
0x60: {  	_ =	swait.ge [sflag:s23], $0x1000  }
0x61: {  	[sflag:s23] =	ssyncset.done $0x0  }
0x62: {  	[sflag:s23] =	ssyncadd.s32 $0xFFFFF000  }
0x63: {  	_ =	swait.ge [sflag:s23], $0x1000  }
0x64: {  	[sflag:s23] =	ssyncset.done $0x0  }
0x65: {  	[sflag:s23] =	ssyncadd.s32 $0xFFFFF000  }
0x66: {  	_ =	swait.ge [sflag:s23], $0x1000  }
0x67: {  	[sflag:s23] =	ssyncset.done $0x0  }
0x68: {  	[sflag:s23] =	ssyncadd.s32 $0xFFFFF000  }
0x69: {  	_ =	swait.ge [sflag:s23], $0x1000  }
0x6a: {  	[sflag:s23] =	ssyncset.done $0x0  }
0x6b: {  	[sflag:s23] =	ssyncadd.s32 $0xFFFFF000  }
0x6c: {  	_ =	swait.ge [sflag:s23], $0x1000  }
0x6d: {  	[sflag:s23] =	ssyncset.done $0x0  }
0x6e: {  	[sflag:s23] =	ssyncadd.s32 $0xFFFFF000  }
0x6f: {  	_ =	swait.ge [sflag:s23], $0x1000  }
0x70: {  	[sflag:s23] =	ssyncset.done $0x0  }
0x71: {  	[sflag:s23] =	ssyncadd.s32 $0xFFFFF000  }
0x72: {  	_ =	swait.ge [sflag:s23], $0x1000  }
0x73: {  	[sflag:s23] =	ssyncset.done $0x0  }
0x74: {  	[sflag:s23] =	ssyncadd.s32 $0xFFFFF000  }
0x75: {  	_ =	swait.ge [sflag:s23], $0x1000  }
0x76: {  	[sflag:s23] =	ssyncset.done $0x0  }
0x77: {  	[sflag:s23] =	ssyncadd.s32 $0xFFFFF000  }
0x78: {  	_ =	swait.ge [sflag:s23], $0x1000  }
0x79: {  	[sflag:s23] =	ssyncset.done $0x0  }
0x7a: {  	[sflag:s23] =	ssyncadd.s32 $0xFFFFF000  }
0x7b: {  	_ =	swait.ge [sflag:s23], $0x1000  }
0x7c: {  	[sflag:s23] =	ssyncset.done $0x0  }
0x7d: {  	[sflag:s23] =	ssyncadd.s32 $0xFFFFF000  }
0x7e: {  	_ =	swait.ge [sflag:s23], $0x1000  }
0x7f: {  	[sflag:s23] =	ssyncset.done $0x0  }
0x80: {  	[sflag:s23] =	ssyncadd.s32 $0xFFFFF000  }
0x81: {  	_ =	swait.ge [sflag:s23], $0x1000  }
0x82: {  	[sflag:s23] =	ssyncset.done $0x0  }
0x83: {  	[sflag:s23] =	ssyncadd.s32 $0xFFFFF000  }
0x84: {  	_ =	swait.ge [sflag:s23], $0x1000  }
0x85: {  	[sflag:s23] =	ssyncset.done $0x0  }
0x86: {  	[sflag:s23] =	ssyncadd.s32 $0xFFFFF000  }
0x87: {  	_ =	swait.ge [sflag:s23], $0x1000  }
0x88: {  	[sflag:s23] =	ssyncset.done $0x0  }
0x89: {  	[sflag:s23] =	ssyncadd.s32 $0xFFFFF000  }
.LBB2_6:
0x8a: {  	[bflag:$0x0] =	sbarrier.arrive $0xFFFF  }
0x8b: {  	s17 =	simm.s32 $0x0;
	s18 =	rddreg [dreg:$0x5]  }
0x8c: {  	[tilespmem:s17], [sflag:$0x1] =	stream.linear.gather [hbm4b:s18+s17], $0x1000, $0x38;
	[tilespmem:$0x1A000] =	vst v63  }
0x8d: {  	s20 =	rddreg [dreg:$0x6]  }
0x8e: {  	[tilespmem:s1], [sflag:$0x1] =	stream.linear.gather [hbm4b:s20+s17], $0x1000, $0x38;
	[tilespmem:$0x1A000] =	vst v63  }
0x8f: {  	s19 =	rddreg [dreg:$0x7]  }
0x90: {  	[tilespmem:s2], [sflag:$0x1] =	stream.linear.gather [hbm4b:s19+s17], $0x1000, $0x38;
	[tilespmem:$0x1A000] =	vst v63  }
0x91: {  	s20 =	rddreg [dreg:$0x8]  }
0x92: {  	[tilespmem:s3], [sflag:$0x1] =	stream.linear.gather [hbm4b:s20+s17], $0x1000, $0x38;
	[tilespmem:$0x1A000] =	vst v63  }
0x93: {  	_ =	swait.ge [sflag:s4], $0x1000  }
0x94: {  	[sflag:s4] =	ssyncset.done $0x0  }
0x95: {  	[sflag:s4] =	ssyncadd.s32 $0xFFFFF000  }
0x96: {  	_ =	swait.ge [sflag:s4], $0x1000  }
0x97: {  	[sflag:s4] =	ssyncset.done $0x0  }
0x98: {  	s17 =	simm.s32 $0x0;
	[sflag:s4] =	ssyncadd.s32 $0xFFFFF000  }
0x99: {  	v2 =	vld [tilespmem:s17+$0x0]  }
0x9a: {  	v3 =	vld [tilespmem:s17+$0x2000];
	_ =	sdelay $0x3  }
0x9b: {  	v2 =	vtrunc.f32 v2  }
0x9c: {  	s18 =	simm.s32 $0x10;
	v4 =	vcvt.f32.s32 v2;
	v2 =	vtrunc.f32 v3  }
0x9d: {  	v5 =	vcvt.f32.s32 v2;
	v2 =	vld [tilespmem:s18+$0x0]  }
0x9e: {  	v3 =	vld [tilespmem:s18+$0x2000]  }
0x9f: {  	vm0 =	vgt.s32 v4, $0x0  }
0xa0: {  	v4 =	vnsel vm0, $0x0, v4;
	vm15 =	vgt.s32 v5, $0x0  }
0xa1: {  	s19 =	simm.s32 $0x80;
	v4 =	vmin.u32 v4, $0x3FF;
	v5 =	vnsel vm15, $0x0, v5  }
.LBB2_7:
0xa2: {  	s20 =	sshra.s32 s19, $0x2;
	p1 =	sne.s32 s19, $0x3FC0;
	s19 =	sadd.s32 $0x40, s19;
	v6 =	vtrunc.f32 v2;
	v5 =	vmin.u32 v5, $0x3FF;
	v4 =	vshll.u32 v4, $0xA  }
.Ltmp3:
0xa3: {  	v2 =	vld [tilespmem:s20+$0x0];
	v6 =	vcvt.f32.s32 v6;
	v7 =	vtrunc.f32 v3;
	v4 =	vor.u32 v5, v4;
	(pc) =	sbr.rel @p1 .LBB2_7-.Ltmp3, $4  }
0xa4: {  	v3 =	vld [tilespmem:s20+$0x2000];
	v5 =	vcvt.f32.s32 v7;
	[tilespmem:s17+$0x4000] =	vst v4;
	s17 =	smov.u32 s18;
	s18 =	smov.u32 s20  }
0xa5: {  	vm0 =	vgt.s32 v6, $0x0  }
0xa6: {  	v4 =	vnsel vm0, $0x0, v6;
	vm0 =	vgt.s32 v5, $0x0  }
0xa7: {  	v4 =	vmin.u32 v4, $0x3FF;
	v5 =	vnsel vm0, $0x0, v5  }
0xa8: {  	v2 =	vtrunc.f32 v2  }
0xa9: {  	v2 =	vcvt.f32.s32 v2;
	v3 =	vtrunc.f32 v3  }
0xaa: {  	v3 =	vcvt.f32.s32 v3  }
0xab: {  	vm0 =	vgt.s32 v2, $0x0  }
0xac: {  	v5 =	vmin.u32 v5, $0x3FF;
	v2 =	vnsel vm0, $0x0, v2;
	vm13 =	vgt.s32 v3, $0x0  }
0xad: {  	v4 =	vshll.u32 v4, $0xA;
	v2 =	vmin.u32 v2, $0x3FF;
	v3 =	vnsel vm13, $0x0, v3  }
0xae: {  	v4 =	vor.u32 v5, v4;
	v3 =	vmin.u32 v3, $0x3FF;
	v2 =	vshll.u32 v2, $0xA  }
0xaf: {  	[tilespmem:s17+$0x4000] =	vst v4;
	v2 =	vor.u32 v3, v2  }
0xb0: {  	s19 =	rddreg [dreg:$0x9];
	s17 =	simm.s32 $0x0;
	[tilespmem:s18+$0x4000] =	vst v2  }
0xb1: {  	[tilespmem:s17], [sflag:$0x1] =	stream.linear.gather [hbm4b:s19+s17], $0x1000, $0x38;
	[tilespmem:$0x1A000] =	vst v63  }
0xb2: {  	s20 =	rddreg [dreg:$0xa]  }
0xb3: {  	[tilespmem:s1], [sflag:$0x1] =	stream.linear.gather [hbm4b:s20+s17], $0x1000, $0x38;
	[tilespmem:$0x1A000] =	vst v63  }
0xb4: {  	_ = 	snop  }
0xb5: {  	[tilespmem:s6], [sflag:$0x2] =	stream.indirect.gather [hbm4b:s29+s2], $0x1, s5, s2, $0xb8;
	[tilespmem:$0x1A000] =	vst v63  }
0xb6: {  	_ = 	snop  }
0xb7: {  	[spmem:s28] =	stream.indirect.scatter.add.f32 [tilespmem:s7], [sflag:$0x3], $0x1, s5, s2, $0xb8;
	[tilespmem:$0x1A000] =	vst v63  }
0xb8: {  	_ =	swait.ge [sflag:s4], $0x1000  }
0xb9: {  	[sflag:s4] =	ssyncset.done $0x0  }
0xba: {  	[sflag:s4] =	ssyncadd.s32 $0xFFFFF000  }
0xbb: {  	_ =	swait.ge [sflag:s4], $0x1000  }
0xbc: {  	[sflag:s4] =	ssyncset.done $0x0  }
0xbd: {  	s17 =	simm.s32 $0x0;
	[sflag:s4] =	ssyncadd.s32 $0xFFFFF000  }
0xbe: {  	v2 =	vld [tilespmem:s17+$0x1000]  }
0xbf: {  	v3 =	vld [tilespmem:s17+$0x3000];
	_ =	sdelay $0x3  }
0xc0: {  	v2 =	vtrunc.f32 v2  }
0xc1: {  	s18 =	simm.s32 $0x10;
	v4 =	vcvt.f32.s32 v2;
	v2 =	vtrunc.f32 v3  }
0xc2: {  	v5 =	vcvt.f32.s32 v2;
	v2 =	vld [tilespmem:s18+$0x1000]  }
0xc3: {  	v3 =	vld [tilespmem:s18+$0x3000]  }
0xc4: {  	vm14 =	vgt.s32 v4, $0x0  }
0xc5: {  	v4 =	vnsel vm14, $0x0, v4;
	vm15 =	vgt.s32 v5, $0x0  }
0xc6: {  	s19 =	simm.s32 $0x80;
	v4 =	vmin.u32 v4, $0x3FF;
	v5 =	vnsel vm15, $0x0, v5  }
.LBB2_9:
0xc7: {  	s20 =	sshra.s32 s19, $0x2;
	p1 =	sne.s32 s19, $0x3FC0;
	s19 =	sadd.s32 $0x40, s19;
	v6 =	vtrunc.f32 v2;
	v5 =	vmin.u32 v5, $0x3FF;
	v4 =	vshll.u32 v4, $0xA  }
.Ltmp4:
0xc8: {  	v2 =	vld [tilespmem:s20+$0x1000];
	v6 =	vcvt.f32.s32 v6;
	v7 =	vtrunc.f32 v3;
	v4 =	vor.u32 v5, v4;
	(pc) =	sbr.rel @p1 .LBB2_9-.Ltmp4, $4  }
0xc9: {  	v3 =	vld [tilespmem:s20+$0x3000];
	v5 =	vcvt.f32.s32 v7;
	[tilespmem:s17+$0x5000] =	vst v4;
	s17 =	smov.u32 s18;
	s18 =	smov.u32 s20  }
0xca: {  	vm0 =	vgt.s32 v6, $0x0  }
0xcb: {  	v4 =	vnsel vm0, $0x0, v6;
	vm0 =	vgt.s32 v5, $0x0  }
0xcc: {  	v4 =	vmin.u32 v4, $0x3FF;
	v5 =	vnsel vm0, $0x0, v5  }
0xcd: {  	v2 =	vtrunc.f32 v2  }
0xce: {  	v2 =	vcvt.f32.s32 v2;
	v3 =	vtrunc.f32 v3  }
0xcf: {  	v3 =	vcvt.f32.s32 v3  }
0xd0: {  	vm0 =	vgt.s32 v2, $0x0  }
0xd1: {  	v5 =	vmin.u32 v5, $0x3FF;
	v2 =	vnsel vm0, $0x0, v2;
	vm13 =	vgt.s32 v3, $0x0  }
0xd2: {  	v4 =	vshll.u32 v4, $0xA;
	v2 =	vmin.u32 v2, $0x3FF;
	v3 =	vnsel vm13, $0x0, v3  }
0xd3: {  	v4 =	vor.u32 v5, v4;
	v3 =	vmin.u32 v3, $0x3FF;
	v2 =	vshll.u32 v2, $0xA  }
0xd4: {  	[tilespmem:s17+$0x5000] =	vst v4;
	v2 =	vor.u32 v3, v2  }
0xd5: {  	s20 =	rddreg [dreg:$0xb];
	s17 =	simm.s32 $0x0;
	[tilespmem:s18+$0x5000] =	vst v2  }
0xd6: {  	[tilespmem:s2], [sflag:$0x1] =	stream.linear.gather [hbm4b:s20+s17], $0x1000, $0x38;
	[tilespmem:$0x1A000] =	vst v63  }
0xd7: {  	s19 =	rddreg [dreg:$0xc]  }
0xd8: {  	[tilespmem:s3], [sflag:$0x1] =	stream.linear.gather [hbm4b:s19+s17], $0x1000, $0x38;
	[tilespmem:$0x1A000] =	vst v63  }
0xd9: {  	_ = 	snop  }
0xda: {  	[tilespmem:s9], [sflag:$0x2] =	stream.indirect.gather [hbm4b:s29+s2], $0x1, s8, s2, $0xb8;
	[tilespmem:$0x1A000] =	vst v63  }
0xdb: {  	_ = 	snop  }
0xdc: {  	[spmem:s28] =	stream.indirect.scatter.add.f32 [tilespmem:s7], [sflag:$0x3], $0x1, s8, s2, $0xb8;
	[tilespmem:$0x1A000] =	vst v63  }
0xdd: {  	_ =	swait.ge [sflag:s10], $0x1000  }
0xde: {  	[sflag:s10] =	ssyncset.done $0x0  }
0xdf: {  	s20 =	rddreg [dreg:$0xd];
	[sflag:s10] =	ssyncadd.s32 $0xFFFFF000  }
0xe0: {  	[hbm4b:s20+s17] =	stream.linear.scatter [tilespmem:s6], [sflag:$0x4], $0x1000, $0x38;
	[tilespmem:$0x1A000] =	vst v63  }
0xe1: {  	_ =	swait.ge [sflag:s4], $0x1000  }
0xe2: {  	[sflag:s4] =	ssyncset.done $0x0  }
0xe3: {  	[sflag:s4] =	ssyncadd.s32 $0xFFFFF000  }
0xe4: {  	_ =	swait.ge [sflag:s4], $0x1000  }
0xe5: {  	[sflag:s4] =	ssyncset.done $0x0  }
0xe6: {  	s17 =	simm.s32 $0x0;
	[sflag:s4] =	ssyncadd.s32 $0xFFFFF000  }
0xe7: {  	v2 =	vld [tilespmem:s17+$0x0]  }
0xe8: {  	v3 =	vld [tilespmem:s17+$0x2000];
	_ =	sdelay $0x3  }
0xe9: {  	v2 =	vtrunc.f32 v2  }
0xea: {  	s18 =	simm.s32 $0x10;
	v4 =	vcvt.f32.s32 v2;
	v2 =	vtrunc.f32 v3  }
0xeb: {  	v5 =	vcvt.f32.s32 v2;
	v2 =	vld [tilespmem:s18+$0x0]  }
0xec: {  	v3 =	vld [tilespmem:s18+$0x2000]  }
0xed: {  	vm14 =	vgt.s32 v4, $0x0  }
0xee: {  	v4 =	vnsel vm14, $0x0, v4;
	vm15 =	vgt.s32 v5, $0x0  }
0xef: {  	s19 =	simm.s32 $0x80;
	v4 =	vmin.u32 v4, $0x3FF;
	v5 =	vnsel vm15, $0x0, v5  }
.LBB2_11:
0xf0: {  	s20 =	sshra.s32 s19, $0x2;
	p1 =	sne.s32 s19, $0x3FC0;
	s19 =	sadd.s32 $0x40, s19;
	v6 =	vtrunc.f32 v2;
	v5 =	vmin.u32 v5, $0x3FF;
	v4 =	vshll.u32 v4, $0xA  }
.Ltmp5:
0xf1: {  	v2 =	vld [tilespmem:s20+$0x0];
	v6 =	vcvt.f32.s32 v6;
	v7 =	vtrunc.f32 v3;
	v4 =	vor.u32 v5, v4;
	(pc) =	sbr.rel @p1 .LBB2_11-.Ltmp5, $4  }
0xf2: {  	v3 =	vld [tilespmem:s20+$0x2000];
	v5 =	vcvt.f32.s32 v7;
	[tilespmem:s17+$0x6000] =	vst v4;
	s17 =	smov.u32 s18;
	s18 =	smov.u32 s20  }
0xf3: {  	vm0 =	vgt.s32 v6, $0x0  }
0xf4: {  	v4 =	vnsel vm0, $0x0, v6;
	vm0 =	vgt.s32 v5, $0x0  }
0xf5: {  	v4 =	vmin.u32 v4, $0x3FF;
	v5 =	vnsel vm0, $0x0, v5  }
0xf6: {  	v2 =	vtrunc.f32 v2  }
0xf7: {  	v2 =	vcvt.f32.s32 v2;
	v3 =	vtrunc.f32 v3  }
0xf8: {  	v3 =	vcvt.f32.s32 v3  }
0xf9: {  	vm0 =	vgt.s32 v2, $0x0  }
0xfa: {  	v5 =	vmin.u32 v5, $0x3FF;
	v2 =	vnsel vm0, $0x0, v2;
	vm13 =	vgt.s32 v3, $0x0  }
0xfb: {  	v4 =	vshll.u32 v4, $0xA;
	v2 =	vmin.u32 v2, $0x3FF;
	v3 =	vnsel vm13, $0x0, v3  }
0xfc: {  	v4 =	vor.u32 v5, v4;
	v3 =	vmin.u32 v3, $0x3FF;
	v2 =	vshll.u32 v2, $0xA  }
0xfd: {  	[tilespmem:s17+$0x6000] =	vst v4;
	v2 =	vor.u32 v3, v2  }
0xfe: {  	s20 =	rddreg [dreg:$0xe];
	s17 =	simm.s32 $0x0;
	[tilespmem:s18+$0x6000] =	vst v2  }
0xff: {  	[tilespmem:s17], [sflag:$0x1] =	stream.linear.gather [hbm4b:s20+s17], $0x1000, $0x38;
	[tilespmem:$0x1A000] =	vst v63  }
0x100: {  	s19 =	rddreg [dreg:$0x15]  }
0x101: {  	[tilespmem:s1], [sflag:$0x1] =	stream.linear.gather [hbm4b:s19+s17], $0x1000, $0x38;
	[tilespmem:$0x1A000] =	vst v63  }
0x102: {  	_ =	swait.ge [sflag:s23], $0x1000  }
0x103: {  	[sflag:s23] =	ssyncset.done $0x0  }
0x104: {  	[sflag:s23] =	ssyncadd.s32 $0xFFFFF000  }
0x105: {  	[tilespmem:s6], [sflag:$0x2] =	stream.indirect.gather [hbm4b:s29+s2], $0x1, s11, s2, $0xb8;
	[tilespmem:$0x1A000] =	vst v63  }
0x106: {  	_ = 	snop  }
0x107: {  	[spmem:s28] =	stream.indirect.scatter.add.f32 [tilespmem:s7], [sflag:$0x3], $0x1, s11, s2, $0xb8;
	[tilespmem:$0x1A000] =	vst v63  }
0x108: {  	_ =	swait.ge [sflag:s10], $0x1000  }
0x109: {  	[sflag:s10] =	ssyncset.done $0x0  }
0x10a: {  	s20 =	rddreg [dreg:$0xf];
	[sflag:s10] =	ssyncadd.s32 $0xFFFFF000  }
0x10b: {  	[hbm4b:s20+s17] =	stream.linear.scatter [tilespmem:s9], [sflag:$0x4], $0x1000, $0x38;
	[tilespmem:$0x1A000] =	vst v63  }
0x10c: {  	_ =	swait.ge [sflag:s12], $0x1000  }
0x10d: {  	[sflag:s12] =	ssyncset.done $0x0  }
0x10e: {  	[sflag:s12] =	ssyncadd.s32 $0xFFFFF000  }
0x10f: {  	_ =	swait.ge [sflag:s4], $0x1000  }
0x110: {  	[sflag:s4] =	ssyncset.done $0x0  }
0x111: {  	[sflag:s4] =	ssyncadd.s32 $0xFFFFF000  }
0x112: {  	_ =	swait.ge [sflag:s4], $0x1000  }
0x113: {  	[sflag:s4] =	ssyncset.done $0x0  }
0x114: {  	s17 =	simm.s32 $0x0;
	[sflag:s4] =	ssyncadd.s32 $0xFFFFF000  }
0x115: {  	v2 =	vld [tilespmem:s17+$0x1000]  }
0x116: {  	v3 =	vld [tilespmem:s17+$0x3000];
	_ =	sdelay $0x3  }
0x117: {  	v2 =	vtrunc.f32 v2  }
0x118: {  	s18 =	simm.s32 $0x10;
	v4 =	vcvt.f32.s32 v2;
	v2 =	vtrunc.f32 v3  }
0x119: {  	v5 =	vcvt.f32.s32 v2;
	v2 =	vld [tilespmem:s18+$0x1000]  }
0x11a: {  	v3 =	vld [tilespmem:s18+$0x3000]  }
0x11b: {  	vm14 =	vgt.s32 v4, $0x0  }
0x11c: {  	v4 =	vnsel vm14, $0x0, v4;
	vm15 =	vgt.s32 v5, $0x0  }
0x11d: {  	s19 =	simm.s32 $0x80;
	v4 =	vmin.u32 v4, $0x3FF;
	v5 =	vnsel vm15, $0x0, v5  }
.LBB2_13:
0x11e: {  	s20 =	sshra.s32 s19, $0x2;
	p1 =	sne.s32 s19, $0x3FC0;
	s19 =	sadd.s32 $0x40, s19;
	v6 =	vtrunc.f32 v2;
	v5 =	vmin.u32 v5, $0x3FF;
	v4 =	vshll.u32 v4, $0xA  }
.Ltmp6:
0x11f: {  	v2 =	vld [tilespmem:s20+$0x1000];
	v6 =	vcvt.f32.s32 v6;
	v7 =	vtrunc.f32 v3;
	v4 =	vor.u32 v5, v4;
	(pc) =	sbr.rel @p1 .LBB2_13-.Ltmp6, $4  }
0x120: {  	v3 =	vld [tilespmem:s20+$0x3000];
	v5 =	vcvt.f32.s32 v7;
	[tilespmem:s17+$0x4000] =	vst v4;
	s17 =	smov.u32 s18;
	s18 =	smov.u32 s20  }
0x121: {  	vm0 =	vgt.s32 v6, $0x0  }
0x122: {  	v4 =	vnsel vm0, $0x0, v6;
	vm0 =	vgt.s32 v5, $0x0  }
0x123: {  	v4 =	vmin.u32 v4, $0x3FF;
	v5 =	vnsel vm0, $0x0, v5  }
0x124: {  	v2 =	vtrunc.f32 v2  }
0x125: {  	v2 =	vcvt.f32.s32 v2;
	v3 =	vtrunc.f32 v3  }
0x126: {  	v3 =	vcvt.f32.s32 v3  }
0x127: {  	vm0 =	vgt.s32 v2, $0x0  }
0x128: {  	v5 =	vmin.u32 v5, $0x3FF;
	v2 =	vnsel vm0, $0x0, v2;
	vm13 =	vgt.s32 v3, $0x0  }
0x129: {  	v4 =	vshll.u32 v4, $0xA;
	v2 =	vmin.u32 v2, $0x3FF;
	v3 =	vnsel vm13, $0x0, v3  }
0x12a: {  	v4 =	vor.u32 v5, v4;
	v3 =	vmin.u32 v3, $0x3FF;
	v2 =	vshll.u32 v2, $0xA  }
0x12b: {  	[tilespmem:s17+$0x4000] =	vst v4;
	v2 =	vor.u32 v3, v2  }
0x12c: {  	s20 =	rddreg [dreg:$0x12];
	s17 =	simm.s32 $0x0;
	[tilespmem:s18+$0x4000] =	vst v2  }
0x12d: {  	[tilespmem:s2], [sflag:$0x1] =	stream.linear.gather [hbm4b:s20+s17], $0x1000, $0x38;
	[tilespmem:$0x1A000] =	vst v63  }
0x12e: {  	s19 =	rddreg [dreg:$0x16]  }
0x12f: {  	[tilespmem:s3], [sflag:$0x1] =	stream.linear.gather [hbm4b:s19+s17], $0x1000, $0x38;
	[tilespmem:$0x1A000] =	vst v63  }
0x130: {  	_ =	swait.ge [sflag:s23], $0x1000  }
0x131: {  	[sflag:s23] =	ssyncset.done $0x0  }
0x132: {  	[sflag:s23] =	ssyncadd.s32 $0xFFFFF000  }
0x133: {  	[tilespmem:s9], [sflag:$0x2] =	stream.indirect.gather [hbm4b:s29+s2], $0x1, s5, s2, $0xb8;
	[tilespmem:$0x1A000] =	vst v63  }
0x134: {  	_ = 	snop  }
0x135: {  	[spmem:s28] =	stream.indirect.scatter.add.f32 [tilespmem:s7], [sflag:$0x3], $0x1, s5, s2, $0xb8;
	[tilespmem:$0x1A000] =	vst v63  }
0x136: {  	_ =	swait.ge [sflag:s10], $0x1000  }
0x137: {  	[sflag:s10] =	ssyncset.done $0x0  }
0x138: {  	s20 =	rddreg [dreg:$0x10];
	[sflag:s10] =	ssyncadd.s32 $0xFFFFF000  }
0x139: {  	[hbm4b:s20+s17] =	stream.linear.scatter [tilespmem:s6], [sflag:$0x4], $0x1000, $0x38;
	[tilespmem:$0x1A000] =	vst v63  }
0x13a: {  	_ =	swait.ge [sflag:s12], $0x1000  }
0x13b: {  	[sflag:s12] =	ssyncset.done $0x0  }
0x13c: {  	[sflag:s12] =	ssyncadd.s32 $0xFFFFF000  }
0x13d: {  	_ =	swait.ge [sflag:s4], $0x1000  }
0x13e: {  	[sflag:s4] =	ssyncset.done $0x0  }
0x13f: {  	[sflag:s4] =	ssyncadd.s32 $0xFFFFF000  }
0x140: {  	_ =	swait.ge [sflag:s4], $0x1000  }
0x141: {  	[sflag:s4] =	ssyncset.done $0x0  }
0x142: {  	s17 =	simm.s32 $0x0;
	[sflag:s4] =	ssyncadd.s32 $0xFFFFF000  }
0x143: {  	v2 =	vld [tilespmem:s17+$0x0]  }
0x144: {  	v3 =	vld [tilespmem:s17+$0x2000];
	_ =	sdelay $0x3  }
0x145: {  	v2 =	vtrunc.f32 v2  }
0x146: {  	s18 =	simm.s32 $0x10;
	v4 =	vcvt.f32.s32 v2;
	v2 =	vtrunc.f32 v3  }
0x147: {  	v5 =	vcvt.f32.s32 v2;
	v2 =	vld [tilespmem:s18+$0x0]  }
0x148: {  	v3 =	vld [tilespmem:s18+$0x2000]  }
0x149: {  	vm14 =	vgt.s32 v4, $0x0  }
0x14a: {  	v4 =	vnsel vm14, $0x0, v4;
	vm15 =	vgt.s32 v5, $0x0  }
0x14b: {  	s19 =	simm.s32 $0x80;
	v4 =	vmin.u32 v4, $0x3FF;
	v5 =	vnsel vm15, $0x0, v5  }
.LBB2_15:
0x14c: {  	s20 =	sshra.s32 s19, $0x2;
	p1 =	sne.s32 s19, $0x3FC0;
	s19 =	sadd.s32 $0x40, s19;
	v6 =	vtrunc.f32 v2;
	v5 =	vmin.u32 v5, $0x3FF;
	v4 =	vshll.u32 v4, $0xA  }
.Ltmp7:
0x14d: {  	v2 =	vld [tilespmem:s20+$0x0];
	v6 =	vcvt.f32.s32 v6;
	v7 =	vtrunc.f32 v3;
	v4 =	vor.u32 v5, v4;
	(pc) =	sbr.rel @p1 .LBB2_15-.Ltmp7, $4  }
0x14e: {  	v3 =	vld [tilespmem:s20+$0x2000];
	v5 =	vcvt.f32.s32 v7;
	[tilespmem:s17+$0x5000] =	vst v4;
	s17 =	smov.u32 s18;
	s18 =	smov.u32 s20  }
0x14f: {  	vm0 =	vgt.s32 v6, $0x0  }
0x150: {  	v4 =	vnsel vm0, $0x0, v6;
	vm0 =	vgt.s32 v5, $0x0  }
0x151: {  	v4 =	vmin.u32 v4, $0x3FF;
	v5 =	vnsel vm0, $0x0, v5  }
0x152: {  	v2 =	vtrunc.f32 v2  }
0x153: {  	v2 =	vcvt.f32.s32 v2;
	v3 =	vtrunc.f32 v3  }
0x154: {  	v3 =	vcvt.f32.s32 v3  }
0x155: {  	vm0 =	vgt.s32 v2, $0x0  }
0x156: {  	v5 =	vmin.u32 v5, $0x3FF;
	v2 =	vnsel vm0, $0x0, v2;
	vm13 =	vgt.s32 v3, $0x0  }
0x157: {  	v4 =	vshll.u32 v4, $0xA;
	v2 =	vmin.u32 v2, $0x3FF;
	v3 =	vnsel vm13, $0x0, v3  }
0x158: {  	v4 =	vor.u32 v5, v4;
	v3 =	vmin.u32 v3, $0x3FF;
	v2 =	vshll.u32 v2, $0xA  }
0x159: {  	[tilespmem:s17+$0x5000] =	vst v4;
	v2 =	vor.u32 v3, v2  }
0x15a: {  	s20 =	rddreg [dreg:$0x13];
	s17 =	simm.s32 $0x0;
	[tilespmem:s18+$0x5000] =	vst v2  }
0x15b: {  	[tilespmem:s17], [sflag:$0x1] =	stream.linear.gather [hbm4b:s20+s17], $0x1000, $0x38;
	[tilespmem:$0x1A000] =	vst v63  }
0x15c: {  	s19 =	rddreg [dreg:$0x17]  }
0x15d: {  	[tilespmem:s1], [sflag:$0x1] =	stream.linear.gather [hbm4b:s19+s17], $0x1000, $0x38;
	[tilespmem:$0x1A000] =	vst v63  }
0x15e: {  	_ =	swait.ge [sflag:s23], $0x1000  }
0x15f: {  	[sflag:s23] =	ssyncset.done $0x0  }
0x160: {  	[sflag:s23] =	ssyncadd.s32 $0xFFFFF000  }
0x161: {  	[tilespmem:s6], [sflag:$0x2] =	stream.indirect.gather [hbm4b:s29+s2], $0x1, s8, s2, $0xb8;
	[tilespmem:$0x1A000] =	vst v63  }
0x162: {  	_ = 	snop  }
0x163: {  	[spmem:s28] =	stream.indirect.scatter.add.f32 [tilespmem:s7], [sflag:$0x3], $0x1, s8, s2, $0xb8;
	[tilespmem:$0x1A000] =	vst v63  }
0x164: {  	_ =	swait.ge [sflag:s10], $0x1000  }
0x165: {  	[sflag:s10] =	ssyncset.done $0x0  }
0x166: {  	s20 =	rddreg [dreg:$0x11];
	[sflag:s10] =	ssyncadd.s32 $0xFFFFF000  }
0x167: {  	[hbm4b:s20+s17] =	stream.linear.scatter [tilespmem:s9], [sflag:$0x4], $0x1000, $0x38;
	[tilespmem:$0x1A000] =	vst v63  }
0x168: {  	_ =	swait.ge [sflag:s12], $0x1000  }
0x169: {  	[sflag:s12] =	ssyncset.done $0x0  }
0x16a: {  	[sflag:s12] =	ssyncadd.s32 $0xFFFFF000  }
0x16b: {  	_ =	swait.ge [sflag:s4], $0x1000  }
0x16c: {  	[sflag:s4] =	ssyncset.done $0x0  }
0x16d: {  	[sflag:s4] =	ssyncadd.s32 $0xFFFFF000  }
0x16e: {  	_ =	swait.ge [sflag:s4], $0x1000  }
0x16f: {  	[sflag:s4] =	ssyncset.done $0x0  }
0x170: {  	s17 =	simm.s32 $0x0;
	[sflag:s4] =	ssyncadd.s32 $0xFFFFF000  }
0x171: {  	v2 =	vld [tilespmem:s17+$0x1000]  }
0x172: {  	v3 =	vld [tilespmem:s17+$0x3000];
	_ =	sdelay $0x3  }
0x173: {  	v2 =	vtrunc.f32 v2  }
0x174: {  	s18 =	simm.s32 $0x10;
	v4 =	vcvt.f32.s32 v2;
	v2 =	vtrunc.f32 v3  }
0x175: {  	v5 =	vcvt.f32.s32 v2;
	v2 =	vld [tilespmem:s18+$0x1000]  }
0x176: {  	v3 =	vld [tilespmem:s18+$0x3000]  }
0x177: {  	vm14 =	vgt.s32 v4, $0x0  }
0x178: {  	v4 =	vnsel vm14, $0x0, v4;
	vm15 =	vgt.s32 v5, $0x0  }
0x179: {  	s19 =	simm.s32 $0x80;
	v4 =	vmin.u32 v4, $0x3FF;
	v5 =	vnsel vm15, $0x0, v5  }
.LBB2_17:
0x17a: {  	s20 =	sshra.s32 s19, $0x2;
	p1 =	sne.s32 s19, $0x3FC0;
	s19 =	sadd.s32 $0x40, s19;
	v6 =	vtrunc.f32 v2;
	v5 =	vmin.u32 v5, $0x3FF;
	v4 =	vshll.u32 v4, $0xA  }
.Ltmp8:
0x17b: {  	v2 =	vld [tilespmem:s20+$0x1000];
	v6 =	vcvt.f32.s32 v6;
	v7 =	vtrunc.f32 v3;
	v4 =	vor.u32 v5, v4;
	(pc) =	sbr.rel @p1 .LBB2_17-.Ltmp8, $4  }
0x17c: {  	v3 =	vld [tilespmem:s20+$0x3000];
	v5 =	vcvt.f32.s32 v7;
	[tilespmem:s17+$0x6000] =	vst v4;
	s17 =	smov.u32 s18;
	s18 =	smov.u32 s20  }
0x17d: {  	vm0 =	vgt.s32 v6, $0x0  }
0x17e: {  	v4 =	vnsel vm0, $0x0, v6;
	vm0 =	vgt.s32 v5, $0x0  }
0x17f: {  	v4 =	vmin.u32 v4, $0x3FF;
	v5 =	vnsel vm0, $0x0, v5  }
0x180: {  	v2 =	vtrunc.f32 v2  }
0x181: {  	v2 =	vcvt.f32.s32 v2;
	v3 =	vtrunc.f32 v3  }
0x182: {  	v3 =	vcvt.f32.s32 v3  }
0x183: {  	vm0 =	vgt.s32 v2, $0x0  }
0x184: {  	v5 =	vmin.u32 v5, $0x3FF;
	v2 =	vnsel vm0, $0x0, v2;
	vm13 =	vgt.s32 v3, $0x0  }
0x185: {  	v4 =	vshll.u32 v4, $0xA;
	v2 =	vmin.u32 v2, $0x3FF;
	v3 =	vnsel vm13, $0x0, v3  }
0x186: {  	v4 =	vor.u32 v5, v4;
	v3 =	vmin.u32 v3, $0x3FF;
	v2 =	vshll.u32 v2, $0xA  }
0x187: {  	[tilespmem:s17+$0x6000] =	vst v4;
	v2 =	vor.u32 v3, v2  }
0x188: {  	s19 =	simm.s32 $0x0;
	s20 =	rddreg [dreg:$0x14];
	[tilespmem:s18+$0x6000] =	vst v2  }
0x189: {  	[tilespmem:s2], [sflag:$0x1] =	stream.linear.gather [hbm4b:s20+s19], $0x1000, $0x38;
	[tilespmem:$0x1A000] =	vst v63  }
0x18a: {  	_ = 	snop  }
0x18b: {  	[tilespmem:s3], [sflag:$0x1] =	stream.linear.gather [hbm4b:s21+s19], $0x1000, $0x38;
	[tilespmem:$0x1A000] =	vst v63  }
0x18c: {  	_ =	swait.ge [sflag:s23], $0x1000  }
0x18d: {  	[sflag:s23] =	ssyncset.done $0x0  }
0x18e: {  	[sflag:s23] =	ssyncadd.s32 $0xFFFFF000  }
0x18f: {  	[tilespmem:s9], [sflag:$0x2] =	stream.indirect.gather [hbm4b:s29+s2], $0x1, s11, s2, $0xb8;
	[tilespmem:$0x1A000] =	vst v63  }
0x190: {  	_ = 	snop  }
0x191: {  	[spmem:s28] =	stream.indirect.scatter.add.f32 [tilespmem:s7], [sflag:$0x3], $0x1, s11, s2, $0xb8;
	[tilespmem:$0x1A000] =	vst v63  }
0x192: {  	_ =	swait.ge [sflag:s10], $0x1000  }
0x193: {  	[sflag:s10] =	ssyncset.done $0x0  }
0x194: {  	[sflag:s10] =	ssyncadd.s32 $0xFFFFF000  }
0x195: {  	[hbm4b:s22+s19] =	stream.linear.scatter [tilespmem:s6], [sflag:$0x4], $0x1000, $0x38;
	[tilespmem:$0x1A000] =	vst v63  }
0x196: {  	_ =	swait.ge [sflag:s12], $0x1000  }
0x197: {  	[sflag:s12] =	ssyncset.done $0x0  }
0x198: {  	[sflag:s12] =	ssyncadd.s32 $0xFFFFF000  }
0x199: {  	_ =	swait.ge [sflag:s4], $0x1000  }
0x19a: {  	[sflag:s4] =	ssyncset.done $0x0  }
0x19b: {  	[sflag:s4] =	ssyncadd.s32 $0xFFFFF000  }
0x19c: {  	_ =	swait.ge [sflag:s4], $0x1000  }
0x19d: {  	[sflag:s4] =	ssyncset.done $0x0  }
0x19e: {  	s17 =	simm.s32 $0x0;
	[sflag:s4] =	ssyncadd.s32 $0xFFFFF000  }
0x19f: {  	v2 =	vld [tilespmem:s17+$0x0]  }
0x1a0: {  	v3 =	vld [tilespmem:s17+$0x2000];
	_ =	sdelay $0x3  }
0x1a1: {  	v2 =	vtrunc.f32 v2  }
0x1a2: {  	s18 =	simm.s32 $0x10;
	v4 =	vcvt.f32.s32 v2;
	v2 =	vtrunc.f32 v3  }
0x1a3: {  	v5 =	vcvt.f32.s32 v2;
	v2 =	vld [tilespmem:s18+$0x0]  }
0x1a4: {  	v3 =	vld [tilespmem:s18+$0x2000]  }
0x1a5: {  	vm14 =	vgt.s32 v4, $0x0  }
0x1a6: {  	v4 =	vnsel vm14, $0x0, v4;
	vm15 =	vgt.s32 v5, $0x0  }
0x1a7: {  	s19 =	simm.s32 $0x80;
	v4 =	vmin.u32 v4, $0x3FF;
	v5 =	vnsel vm15, $0x0, v5  }
.LBB2_19:
0x1a8: {  	s20 =	sshra.s32 s19, $0x2;
	p1 =	sne.s32 s19, $0x3FC0;
	s19 =	sadd.s32 $0x40, s19;
	v6 =	vtrunc.f32 v2;
	v5 =	vmin.u32 v5, $0x3FF;
	v4 =	vshll.u32 v4, $0xA  }
.Ltmp9:
0x1a9: {  	v2 =	vld [tilespmem:s20+$0x0];
	v6 =	vcvt.f32.s32 v6;
	v7 =	vtrunc.f32 v3;
	v4 =	vor.u32 v5, v4;
	(pc) =	sbr.rel @p1 .LBB2_19-.Ltmp9, $4  }
0x1aa: {  	v3 =	vld [tilespmem:s20+$0x2000];
	v5 =	vcvt.f32.s32 v7;
	[tilespmem:s17+$0x4000] =	vst v4;
	s17 =	smov.u32 s18;
	s18 =	smov.u32 s20  }
0x1ab: {  	vm0 =	vgt.s32 v6, $0x0  }
0x1ac: {  	v4 =	vnsel vm0, $0x0, v6;
	vm0 =	vgt.s32 v5, $0x0  }
0x1ad: {  	v4 =	vmin.u32 v4, $0x3FF;
	v5 =	vnsel vm0, $0x0, v5  }
0x1ae: {  	v2 =	vtrunc.f32 v2  }
0x1af: {  	v2 =	vcvt.f32.s32 v2;
	v3 =	vtrunc.f32 v3  }
0x1b0: {  	v3 =	vcvt.f32.s32 v3  }
0x1b1: {  	vm0 =	vgt.s32 v2, $0x0  }
0x1b2: {  	v5 =	vmin.u32 v5, $0x3FF;
	v2 =	vnsel vm0, $0x0, v2;
	vm13 =	vgt.s32 v3, $0x0  }
0x1b3: {  	v4 =	vshll.u32 v4, $0xA;
	v2 =	vmin.u32 v2, $0x3FF;
	v3 =	vnsel vm13, $0x0, v3  }
0x1b4: {  	v4 =	vor.u32 v5, v4;
	v3 =	vmin.u32 v3, $0x3FF;
	v2 =	vshll.u32 v2, $0xA  }
0x1b5: {  	[tilespmem:s17+$0x4000] =	vst v4;
	v2 =	vor.u32 v3, v2  }
0x1b6: {  	[tilespmem:s18+$0x4000] =	vst v2  }
0x1b7: {  	_ =	swait.ge [sflag:s23], $0x1000  }
0x1b8: {  	[sflag:s23] =	ssyncset.done $0x0  }
0x1b9: {  	[sflag:s23] =	ssyncadd.s32 $0xFFFFF000  }
0x1ba: {  	[tilespmem:s6], [sflag:$0x2] =	stream.indirect.gather [hbm4b:s29+s2], $0x1, s5, s2, $0xb8;
	[tilespmem:$0x1A000] =	vst v63  }
0x1bb: {  	_ = 	snop  }
0x1bc: {  	[spmem:s28] =	stream.indirect.scatter.add.f32 [tilespmem:s7], [sflag:$0x3], $0x1, s5, s2, $0xb8;
	[tilespmem:$0x1A000] =	vst v63  }
0x1bd: {  	_ =	swait.ge [sflag:s10], $0x1000  }
0x1be: {  	[sflag:s10] =	ssyncset.done $0x0  }
0x1bf: {  	s20 =	simm.s32 $0x0;
	[sflag:s10] =	ssyncadd.s32 $0xFFFFF000  }
0x1c0: {  	[hbm4b:s24+s20] =	stream.linear.scatter [tilespmem:s9], [sflag:$0x4], $0x1000, $0x38;
	[tilespmem:$0x1A000] =	vst v63  }
0x1c1: {  	_ =	swait.ge [sflag:s12], $0x1000  }
0x1c2: {  	[sflag:s12] =	ssyncset.done $0x0  }
0x1c3: {  	[sflag:s12] =	ssyncadd.s32 $0xFFFFF000  }
0x1c4: {  	_ =	swait.ge [sflag:s4], $0x1000  }
0x1c5: {  	[sflag:s4] =	ssyncset.done $0x0  }
0x1c6: {  	[sflag:s4] =	ssyncadd.s32 $0xFFFFF000  }
0x1c7: {  	_ =	swait.ge [sflag:s4], $0x1000  }
0x1c8: {  	[sflag:s4] =	ssyncset.done $0x0  }
0x1c9: {  	s17 =	simm.s32 $0x0;
	[sflag:s4] =	ssyncadd.s32 $0xFFFFF000  }
0x1ca: {  	v2 =	vld [tilespmem:s17+$0x1000]  }
0x1cb: {  	v3 =	vld [tilespmem:s17+$0x3000];
	_ =	sdelay $0x3  }
0x1cc: {  	v2 =	vtrunc.f32 v2  }
0x1cd: {  	s18 =	simm.s32 $0x10;
	v4 =	vcvt.f32.s32 v2;
	v2 =	vtrunc.f32 v3  }
0x1ce: {  	v5 =	vcvt.f32.s32 v2;
	v2 =	vld [tilespmem:s18+$0x1000]  }
0x1cf: {  	v3 =	vld [tilespmem:s18+$0x3000]  }
0x1d0: {  	vm14 =	vgt.s32 v4, $0x0  }
0x1d1: {  	v4 =	vnsel vm14, $0x0, v4;
	vm15 =	vgt.s32 v5, $0x0  }
0x1d2: {  	s19 =	simm.s32 $0x80;
	v4 =	vmin.u32 v4, $0x3FF;
	v5 =	vnsel vm15, $0x0, v5  }
.LBB2_21:
0x1d3: {  	s20 =	sshra.s32 s19, $0x2;
	p1 =	sne.s32 s19, $0x3FC0;
	s19 =	sadd.s32 $0x40, s19;
	v6 =	vtrunc.f32 v2;
	v5 =	vmin.u32 v5, $0x3FF;
	v4 =	vshll.u32 v4, $0xA  }
.Ltmp10:
0x1d4: {  	v2 =	vld [tilespmem:s20+$0x1000];
	v6 =	vcvt.f32.s32 v6;
	v7 =	vtrunc.f32 v3;
	v4 =	vor.u32 v5, v4;
	(pc) =	sbr.rel @p1 .LBB2_21-.Ltmp10, $4  }
0x1d5: {  	v3 =	vld [tilespmem:s20+$0x3000];
	v5 =	vcvt.f32.s32 v7;
	[tilespmem:s17+$0x5000] =	vst v4;
	s17 =	smov.u32 s18;
	s18 =	smov.u32 s20  }
0x1d6: {  	vm0 =	vgt.s32 v6, $0x0  }
0x1d7: {  	v4 =	vnsel vm0, $0x0, v6;
	vm0 =	vgt.s32 v5, $0x0  }
0x1d8: {  	v4 =	vmin.u32 v4, $0x3FF;
	v5 =	vnsel vm0, $0x0, v5  }
0x1d9: {  	v2 =	vtrunc.f32 v2  }
0x1da: {  	v3 =	vtrunc.f32 v3;
	v2 =	vcvt.f32.s32 v2  }
0x1db: {  	v3 =	vcvt.f32.s32 v3  }
0x1dc: {  	vm0 =	vgt.s32 v2, $0x0  }
0x1dd: {  	v5 =	vmin.u32 v5, $0x3FF;
	vm1 =	vgt.s32 v3, $0x0;
	v2 =	vnsel vm0, $0x0, v2  }
0x1de: {  	v4 =	vshll.u32 v4, $0xA;
	v3 =	vnsel vm1, $0x0, v3;
	v2 =	vmin.u32 v2, $0x3FF  }
0x1df: {  	v4 =	vor.u32 v5, v4;
	v3 =	vmin.u32 v3, $0x3FF;
	v2 =	vshll.u32 v2, $0xA  }
0x1e0: {  	[tilespmem:s17+$0x5000] =	vst v4;
	v2 =	vor.u32 v3, v2  }
0x1e1: {  	[tilespmem:s18+$0x5000] =	vst v2  }
0x1e2: {  	_ =	swait.ge [sflag:s23], $0x1000  }
0x1e3: {  	[sflag:s23] =	ssyncset.done $0x0  }
0x1e4: {  	[sflag:s23] =	ssyncadd.s32 $0xFFFFF000  }
0x1e5: {  	[tilespmem:s9], [sflag:$0x2] =	stream.indirect.gather [hbm4b:s29+s2], $0x1, s8, s2, $0xb8;
	[tilespmem:$0x1A000] =	vst v63  }
0x1e6: {  	_ = 	snop  }
0x1e7: {  	[spmem:s28] =	stream.indirect.scatter.add.f32 [tilespmem:s7], [sflag:$0x3], $0x1, s8, s2, $0xb8;
	[tilespmem:$0x1A000] =	vst v63  }
0x1e8: {  	_ =	swait.ge [sflag:s10], $0x1000  }
0x1e9: {  	[sflag:s10] =	ssyncset.done $0x0  }
0x1ea: {  	s20 =	simm.s32 $0x0;
	[sflag:s10] =	ssyncadd.s32 $0xFFFFF000  }
0x1eb: {  	[hbm4b:s25+s20] =	stream.linear.scatter [tilespmem:s6], [sflag:$0x4], $0x1000, $0x38;
	[tilespmem:$0x1A000] =	vst v63  }
0x1ec: {  	_ =	swait.ge [sflag:s10], $0x1000  }
0x1ed: {  	[sflag:s10] =	ssyncset.done $0x0  }
0x1ee: {  	[sflag:s10] =	ssyncadd.s32 $0xFFFFF000  }
0x1ef: {  	[hbm4b:s26+s20] =	stream.linear.scatter [tilespmem:s9], [sflag:$0x4], $0x1000, $0x38;
	[tilespmem:$0x1A000] =	vst v63  }
0x1f0: {  	_ =	swait.ge [sflag:s23], $0x1000  }
0x1f1: {  	[sflag:s23] =	ssyncset.done $0x0  }
0x1f2: {  	[sflag:s23] =	ssyncadd.s32 $0xFFFFF000  }
0x1f3: {  	_ =	swait.ge [sflag:s23], $0x1000  }
0x1f4: {  	[sflag:s23] =	ssyncset.done $0x0  }
0x1f5: {  	[sflag:s23] =	ssyncadd.s32 $0xFFFFF000  }
0x1f6: {  	_ =	swait.ge [sflag:s12], $0x1000  }
0x1f7: {  	[sflag:s12] =	ssyncset.done $0x0  }
0x1f8: {  	[sflag:s12] =	ssyncadd.s32 $0xFFFFF000  }
0x1f9: {  	_ =	swait.ge [sflag:s12], $0x1000  }
0x1fa: {  	[sflag:s12] =	ssyncset.done $0x0  }
0x1fb: {  	[sflag:s12] =	ssyncadd.s32 $0xFFFFF000  }
0x1fc: {  	_ =	swait.ge [sflag:s12], $0x1000  }
0x1fd: {  	s14 =	sadd.s32 $0x1, s14;
	[sflag:s12] =	ssyncset.done $0x0  }
0x1fe: {  	p1 =	sne.s32 s14, s0;
	[sflag:s12] =	ssyncadd.s32 $0xFFFFF000  }
.Ltmp11:
0x1ff: {  	s15 =	sor.u32 $0x1C05, s15;
	[bflag:$0x0] =	sbarrier.arrive $0xFFFF;
	(pc) =	sbr.rel @p1 .LBB2_1-.Ltmp11, $4  }
0x200: {  	[hbm:s31], [sflag:s15] =	dma.local [spmem:s16], $0x2000  }
0x201: {  	_ =	swait.ge [sflag:s13], $0x2000  }
0x202: {  	[sflag:s13] =	ssyncset.done $0x0  }
0x203: {  	[sflag:s13] =	ssyncadd.s32 $0xFFFFE000  }
0x204: {  	_ =	sfence.sel $0x180000  }
0x205: {  	[bflag:$0x0] =	sbarrier.arrive $0xFFFF  }
0x206: {  	_ =	strace $0x90000047  }
0x207: {  	s0 =	stileid.u32;
	[bflag:$0x2] =	sbarrier.arrive $0xFFFF  }
0x208: {  	p0 =	sne.s32 s0, $0x0;
	s0 =	rddreg [dreg:$0x4]  }
0x209: {  	s0 =	sadd.s32 @!p0 $0x100000, s0  }
0x20a: {  	[sflag:s0] =	ssyncadd.tile.s32 @!p0 $0x1;
	_ =	shalt  }
.Lfunc_end2:
_tile_overlayer_lowered:
.L_overlay_start_2:
0x20b: {  	(tag) =	ssettag $0x2  }
0x20c: {  	s0 =	rddreg [dreg:$0x0];
	s2 =	stileid.u32  }
0x20d: {  	s1 =	rddreg [dreg:$0x1];
	p0 =	sne.s32 s2, $0x0  }
0x20e: {  	s3 =	rddreg [dreg:$0x2];
	[bflag:$0x3] =	sbarrier.arrive $0xFFFF;
	s2 =	simm.s32 @!p0 $0x1C05  }
0x20f: {  	[timem:s3], [sflag:s2] =	dma.local @!p0 [hbm:s0], s1  }
0x210: {  	s0 =	simm.s32 @!p0 $0x5  }
0x211: {  	_ =	swait.ge @!p0 [sflag:s0], s1  }
0x212: {  	s1 =	ssub.s32 @!p0 $0x0, s1;
	[sflag:s0] =	ssyncset.done @!p0 $0x0  }
0x213: {  	[sflag:s0] =	ssyncadd.s32 @!p0 s1  }
0x214: {  	[bflag:$0x3] =	sbarrier.arrive $0xFFFF  }
0x215: {  	_ =	shalt  }

</sc_bundles>
